<compile_context>
chip_gen: v7x
topology: tpu7x:2x2x1
jax: 0.10.2.dev20260603
libtpu: 0.0.44.dev20260713+nightly
codegen_flags: <defaults>
</compile_context>

<pallas_src>
import functools

import jax
import jax.numpy as jnp
from jax import lax
from jax.experimental import pallas as pl
from jax.experimental.pallas import tpu as pltpu
from jax.experimental.pallas import tpu_sc as plsc

_CHUNK = 128
_NBUF = 6


@functools.lru_cache(maxsize=None)
def _build(N, V, D, NC, NS):
    NW = NC * NS
    n_per_w = N // NW
    n_chunks = n_per_w // _CHUNK
    n_steady = ((n_chunks - _NBUF) // _NBUF) * _NBUF
    assert n_chunks >= 2 * _NBUF
    mesh = plsc.VectorSubcoreMesh(core_axis_name="c", subcore_axis_name="s")

    @functools.partial(
        pl.kernel,
        mesh=mesh,
        out_type=jax.ShapeDtypeStruct((N, D), jnp.float32),
        scratch_types=[
            pltpu.VMEM((n_chunks, _CHUNK), jnp.int32),
            pltpu.VMEM((_NBUF, _CHUNK, D), jnp.float32),
        ]
        + [pltpu.SemaphoreType.DMA] * (2 * _NBUF),
    )
    def k(idx_hbm, table_hbm, out_hbm, idx_v, rows_v, *sems):
        wid = lax.axis_index("s") * NC + lax.axis_index("c")
        chunk0 = wid * n_chunks
        gsem = sems[:_NBUF]
        ssem = sems[_NBUF:]
        pltpu.sync_copy(idx_hbm.at[wid], idx_v)

        def start_gather(j, b):
            pltpu.async_copy(table_hbm.at[idx_v.at[j]], rows_v.at[b], gsem[b])

        def wait_gather(j, b):
            pltpu.make_async_copy(
                table_hbm.at[idx_v.at[j]], rows_v.at[b], gsem[b]
            ).wait()

        def start_store(j, b):
            pltpu.async_copy(
                rows_v.at[b],
                out_hbm.at[pl.ds((chunk0 + j) * _CHUNK, _CHUNK)],
                ssem[b],
            )

        def wait_store(b):
            pltpu.make_async_copy(
                rows_v.at[b], out_hbm.at[pl.ds(0, _CHUNK)], ssem[b]
            ).wait()

        for b in range(_NBUF - 1):
            start_gather(b, b)
        wait_gather(0, 0)
        start_store(0, 0)
        start_gather(_NBUF - 1, _NBUF - 1)

        def step(j, b):
            wait_gather(j, b)
            start_store(j, b)
            wait_store((b + _NBUF - 1) % _NBUF)
            if isinstance(j, int) and j + _NBUF - 1 >= n_chunks:
                return
            start_gather(j + _NBUF - 1, (b + _NBUF - 1) % _NBUF)

        def body(i, carry):
            for u in range(_NBUF):
                j = 1 + _NBUF * i + u
                step(j, (1 + u) % _NBUF)
            return carry

        lax.fori_loop(0, n_steady // _NBUF, body, 0)

        for j in range(n_steady + 1, n_chunks):
            step(j, j % _NBUF)
        wait_store((n_chunks - 1) % _NBUF)

    return k


def kernel(indices, table):
    B, L = indices.shape
    V, D = table.shape
    N = B * L
    info = plsc.get_sparse_core_info()
    NW = info.num_cores * info.num_subcores
    idx_t = indices.T.reshape(NW, N // (NW * _CHUNK), _CHUNK).astype(jnp.int32)
    k = _build(N, V, D, info.num_cores, info.num_subcores)
    out = k(idx_t, table)
    return out.reshape(L, B, D).transpose(1, 0, 2)

# --- scband reference (transcript-rebuilt; emitter-appended) ---
"""Pipeline reference for scband-text-base-module-31301721653442 (READ-ONLY COPY).

The authoritative reference and input builder live on the scoring server;
editing this copy changes nothing except your own understanding.
"""

import jax, jax.numpy as jnp
import numpy as np

VOCAB = 100000
EMBED_DIM = 128
BATCH = 4096
HIST = 50

def setup_inputs(seed: int = 0) -> dict:
    key = jax.random.key(seed)
    k_idx, k_tab = jax.random.split(key)
    indices = jax.random.randint(k_idx, (BATCH, HIST), 0, VOCAB, dtype=jnp.int64 if jax.config.jax_enable_x64 else jnp.int32)
    table = jax.random.normal(k_tab, (VOCAB, EMBED_DIM), dtype=jnp.float32)
    return {"indices": indices, "table": table}

def reference(indices, table):
    # TextBaseModule forward: embedding lookup followed by dropout.
    # Dropout is identity at inference (eval mode), so the faithful
    # deterministic reference is the gather from the embedding table.
    emb = jnp.take(table, indices, axis=0)  # [B, L, D]
    return emb

if __name__ == "__main__":
    import jax
    _d = setup_inputs()
    print(jax.jit(kernel)(*tuple(_d.values())))

</pallas_src>

<mosaic_0001>
#map = affine_map<(d0, d1) -> (0, 0, 0)>
#map1 = affine_map<(d0, d1) -> (0, 0)>
module attributes {stable_mosaic.version = 14 : i64} {
  func.func @k(%arg0: i32, %arg1: i32, %arg2: memref<32x50x128xi32, #tpu.memory_space<hbm>>, %arg3: memref<100000x128xf32, #tpu.memory_space<hbm>>, %arg4: memref<204800x128xf32, #tpu.memory_space<hbm>>, %arg5: memref<50x128xi32, #tpu.memory_space<vmem>>, %arg6: memref<6x128x128xf32, #tpu.memory_space<vmem>>, %arg7: memref<!tpu.dma_semaphore, #tpu.memory_space<semaphore_mem>>, %arg8: memref<!tpu.dma_semaphore, #tpu.memory_space<semaphore_mem>>, %arg9: memref<!tpu.dma_semaphore, #tpu.memory_space<semaphore_mem>>, %arg10: memref<!tpu.dma_semaphore, #tpu.memory_space<semaphore_mem>>, %arg11: memref<!tpu.dma_semaphore, #tpu.memory_space<semaphore_mem>>, %arg12: memref<!tpu.dma_semaphore, #tpu.memory_space<semaphore_mem>>, %arg13: memref<!tpu.dma_semaphore, #tpu.memory_space<semaphore_mem>>, %arg14: memref<!tpu.dma_semaphore, #tpu.memory_space<semaphore_mem>>, %arg15: memref<!tpu.dma_semaphore, #tpu.memory_space<semaphore_mem>>, %arg16: memref<!tpu.dma_semaphore, #tpu.memory_space<semaphore_mem>>, %arg17: memref<!tpu.dma_semaphore, #tpu.memory_space<semaphore_mem>>, %arg18: memref<!tpu.dma_semaphore, #tpu.memory_space<semaphore_mem>>) attributes {dimension_semantics = [#tpu.dimension_semantics<core_parallel>, #tpu.dimension_semantics<subcore_parallel>], iteration_bounds = array<i64: 2, 16>, scalar_prefetch = 0 : i64, scratch_operands = 14 : i64, tpu.core_type = #tpu.core_type<sc_vector_subcore>, window_params = [{transform_indices = #map}, {transform_indices = #map1}, {transform_indices = #map1}]} {
    %mul3A = arith.constant 2 : i32
    %mul3A_0 = arith.muli %arg1, %mul3A : i32
    %add3A = arith.addi %mul3A_0, %arg0 : i32
    %mul3A_1 = arith.constant 50 : i32
    %mul3A_2 = arith.muli %add3A, %mul3A_1 : i32
    "tpu.region"() ({
      %run_scoped3A = tpu.sem_alloc : memref<!tpu.dma_semaphore, #tpu.memory_space<semaphore_mem>>
      %dma_start3A_454 = arith.constant 0 : i32
      %dma_start3A_455 = arith.constant 0 : i32
      %dma_start3A_456 = tpu.memref_slice %arg2[%add3A, %dma_start3A_454, %dma_start3A_455] : memref<32x50x128xi32, #tpu.memory_space<hbm>> -> memref<1x50x128xi32, #tpu.memory_space<hbm>>
      %dma_start3A_457 = tpu.memref_squeeze %dma_start3A_456 : memref<1x50x128xi32, #tpu.memory_space<hbm>> -> memref<50x128xi32, #tpu.memory_space<hbm>>
      %dma_start3A_458 = arith.constant 0 : i32
      %dma_start3A_459 = arith.constant 0 : i32
      %dma_start3A_460 = tpu.memref_slice %arg2[%add3A, %dma_start3A_458, %dma_start3A_459] : memref<32x50x128xi32, #tpu.memory_space<hbm>> -> memref<1x50x128xi32, #tpu.memory_space<hbm>>
      %dma_start3A_461 = tpu.memref_squeeze %dma_start3A_460 : memref<1x50x128xi32, #tpu.memory_space<hbm>> -> memref<50x128xi32, #tpu.memory_space<hbm>>
      tpu.enqueue_dma source(%dma_start3A_461 : memref<50x128xi32, #tpu.memory_space<hbm>>) target(%arg5 : memref<50x128xi32, #tpu.memory_space<vmem>>) target_semaphore(%run_scoped3A : memref<!tpu.dma_semaphore, #tpu.memory_space<semaphore_mem>>)
      %dma_wait3A_462 = arith.constant 0 : i32
      %dma_wait3A_463 = arith.constant 0 : i32
      %dma_wait3A_464 = tpu.memref_slice %arg2[%add3A, %dma_wait3A_462, %dma_wait3A_463] : memref<32x50x128xi32, #tpu.memory_space<hbm>> -> memref<1x50x128xi32, #tpu.memory_space<hbm>>
      %dma_wait3A_465 = tpu.memref_squeeze %dma_wait3A_464 : memref<1x50x128xi32, #tpu.memory_space<hbm>> -> memref<50x128xi32, #tpu.memory_space<hbm>>
      %dma_wait3A_466 = arith.constant 0 : i32
      %dma_wait3A_467 = arith.constant 0 : i32
      %dma_wait3A_468 = tpu.memref_slice %arg2[%add3A, %dma_wait3A_466, %dma_wait3A_467] : memref<32x50x128xi32, #tpu.memory_space<hbm>> -> memref<1x50x128xi32, #tpu.memory_space<hbm>>
      %dma_wait3A_469 = tpu.memref_squeeze %dma_wait3A_468 : memref<1x50x128xi32, #tpu.memory_space<hbm>> -> memref<50x128xi32, #tpu.memory_space<hbm>>
      tpu.wait_dma2 semaphore(%run_scoped3A : memref<!tpu.dma_semaphore, #tpu.memory_space<semaphore_mem>>) src(%dma_wait3A_469 : memref<50x128xi32, #tpu.memory_space<hbm>>) dst(%arg5 : memref<50x128xi32, #tpu.memory_space<vmem>>)
      tpu.yield
    }) : () -> ()
    %dma_start3A = arith.constant 0 : i32
    %dma_start3A_3 = arith.constant 0 : i32
    %dma_start3A_4 = arith.constant 0 : i32
    %dma_start3A_5 = arith.constant 0 : i32
    %dma_start3A_6 = tpu.memref_slice %arg6[%dma_start3A_3, %dma_start3A_4, %dma_start3A_5] : memref<6x128x128xf32, #tpu.memory_space<vmem>> -> memref<1x128x128xf32, #tpu.memory_space<vmem>>
    %dma_start3A_7 = tpu.memref_squeeze %dma_start3A_6 : memref<1x128x128xf32, #tpu.memory_space<vmem>> -> memref<128x128xf32, #tpu.memory_space<vmem>>
    %dma_start3A_8 = arith.constant 0 : i32
    %dma_start3A_9 = tpu.memref_slice %arg5[%dma_start3A, %dma_start3A_8] : memref<50x128xi32, #tpu.memory_space<vmem>> -> memref<1x128xi32, #tpu.memory_space<vmem>>
    %dma_start3A_10 = tpu.memref_squeeze %dma_start3A_9 : memref<1x128xi32, #tpu.memory_space<vmem>> -> memref<128xi32, #tpu.memory_space<vmem>>
    %dma_start3A_11 = arith.constant 0 : i32
    %dma_start3A_12 = arith.constant 0 : i32
    %dma_start3A_13 = tpu.memref_slice %arg3[%dma_start3A_11, %dma_start3A_12] : memref<100000x128xf32, #tpu.memory_space<hbm>> -> memref<100000x128xf32, #tpu.memory_space<hbm>>
    tpu.enqueue_indirect_dma source(%dma_start3A_13 : memref<100000x128xf32, #tpu.memory_space<hbm>>) target(%dma_start3A_7 : memref<128x128xf32, #tpu.memory_space<vmem>>) offsets(%dma_start3A_10 : memref<128xi32, #tpu.memory_space<vmem>>) semaphore(%arg7 : memref<!tpu.dma_semaphore, #tpu.memory_space<semaphore_mem>>)
    %dma_start3A_14 = arith.constant 1 : i32
    %dma_start3A_15 = arith.constant 1 : i32
    %dma_start3A_16 = arith.constant 0 : i32
    %dma_start3A_17 = arith.constant 0 : i32
    %dma_start3A_18 = tpu.memref_slice %arg6[%dma_start3A_15, %dma_start3A_16, %dma_start3A_17] : memref<6x128x128xf32, #tpu.memory_space<vmem>> -> memref<1x128x128xf32, #tpu.memory_space<vmem>>
    %dma_start3A_19 = tpu.memref_squeeze %dma_start3A_18 : memref<1x128x128xf32, #tpu.memory_space<vmem>> -> memref<128x128xf32, #tpu.memory_space<vmem>>
    %dma_start3A_20 = arith.constant 0 : i32
    %dma_start3A_21 = tpu.memref_slice %arg5[%dma_start3A_14, %dma_start3A_20] : memref<50x128xi32, #tpu.memory_space<vmem>> -> memref<1x128xi32, #tpu.memory_space<vmem>>
    %dma_start3A_22 = tpu.memref_squeeze %dma_start3A_21 : memref<1x128xi32, #tpu.memory_space<vmem>> -> memref<128xi32, #tpu.memory_space<vmem>>
    %dma_start3A_23 = arith.constant 0 : i32
    %dma_start3A_24 = arith.constant 0 : i32
    %dma_start3A_25 = tpu.memref_slice %arg3[%dma_start3A_23, %dma_start3A_24] : memref<100000x128xf32, #tpu.memory_space<hbm>> -> memref<100000x128xf32, #tpu.memory_space<hbm>>
    tpu.enqueue_indirect_dma source(%dma_start3A_25 : memref<100000x128xf32, #tpu.memory_space<hbm>>) target(%dma_start3A_19 : memref<128x128xf32, #tpu.memory_space<vmem>>) offsets(%dma_start3A_22 : memref<128xi32, #tpu.memory_space<vmem>>) semaphore(%arg8 : memref<!tpu.dma_semaphore, #tpu.memory_space<semaphore_mem>>)
    %dma_start3A_26 = arith.constant 2 : i32
    %dma_start3A_27 = arith.constant 2 : i32
    %dma_start3A_28 = arith.constant 0 : i32
    %dma_start3A_29 = arith.constant 0 : i32
    %dma_start3A_30 = tpu.memref_slice %arg6[%dma_start3A_27, %dma_start3A_28, %dma_start3A_29] : memref<6x128x128xf32, #tpu.memory_space<vmem>> -> memref<1x128x128xf32, #tpu.memory_space<vmem>>
    %dma_start3A_31 = tpu.memref_squeeze %dma_start3A_30 : memref<1x128x128xf32, #tpu.memory_space<vmem>> -> memref<128x128xf32, #tpu.memory_space<vmem>>
    %dma_start3A_32 = arith.constant 0 : i32
    %dma_start3A_33 = tpu.memref_slice %arg5[%dma_start3A_26, %dma_start3A_32] : memref<50x128xi32, #tpu.memory_space<vmem>> -> memref<1x128xi32, #tpu.memory_space<vmem>>
    %dma_start3A_34 = tpu.memref_squeeze %dma_start3A_33 : memref<1x128xi32, #tpu.memory_space<vmem>> -> memref<128xi32, #tpu.memory_space<vmem>>
    %dma_start3A_35 = arith.constant 0 : i32
    %dma_start3A_36 = arith.constant 0 : i32
    %dma_start3A_37 = tpu.memref_slice %arg3[%dma_start3A_35, %dma_start3A_36] : memref<100000x128xf32, #tpu.memory_space<hbm>> -> memref<100000x128xf32, #tpu.memory_space<hbm>>
    tpu.enqueue_indirect_dma source(%dma_start3A_37 : memref<100000x128xf32, #tpu.memory_space<hbm>>) target(%dma_start3A_31 : memref<128x128xf32, #tpu.memory_space<vmem>>) offsets(%dma_start3A_34 : memref<128xi32, #tpu.memory_space<vmem>>) semaphore(%arg9 : memref<!tpu.dma_semaphore, #tpu.memory_space<semaphore_mem>>)
    %dma_start3A_38 = arith.constant 3 : i32
    %dma_start3A_39 = arith.constant 3 : i32
    %dma_start3A_40 = arith.constant 0 : i32
    %dma_start3A_41 = arith.constant 0 : i32
    %dma_start3A_42 = tpu.memref_slice %arg6[%dma_start3A_39, %dma_start3A_40, %dma_start3A_41] : memref<6x128x128xf32, #tpu.memory_space<vmem>> -> memref<1x128x128xf32, #tpu.memory_space<vmem>>
    %dma_start3A_43 = tpu.memref_squeeze %dma_start3A_42 : memref<1x128x128xf32, #tpu.memory_space<vmem>> -> memref<128x128xf32, #tpu.memory_space<vmem>>
    %dma_start3A_44 = arith.constant 0 : i32
    %dma_start3A_45 = tpu.memref_slice %arg5[%dma_start3A_38, %dma_start3A_44] : memref<50x128xi32, #tpu.memory_space<vmem>> -> memref<1x128xi32, #tpu.memory_space<vmem>>
    %dma_start3A_46 = tpu.memref_squeeze %dma_start3A_45 : memref<1x128xi32, #tpu.memory_space<vmem>> -> memref<128xi32, #tpu.memory_space<vmem>>
    %dma_start3A_47 = arith.constant 0 : i32
    %dma_start3A_48 = arith.constant 0 : i32
    %dma_start3A_49 = tpu.memref_slice %arg3[%dma_start3A_47, %dma_start3A_48] : memref<100000x128xf32, #tpu.memory_space<hbm>> -> memref<100000x128xf32, #tpu.memory_space<hbm>>
    tpu.enqueue_indirect_dma source(%dma_start3A_49 : memref<100000x128xf32, #tpu.memory_space<hbm>>) target(%dma_start3A_43 : memref<128x128xf32, #tpu.memory_space<vmem>>) offsets(%dma_start3A_46 : memref<128xi32, #tpu.memory_space<vmem>>) semaphore(%arg10 : memref<!tpu.dma_semaphore, #tpu.memory_space<semaphore_mem>>)
    %dma_start3A_50 = arith.constant 4 : i32
    %dma_start3A_51 = arith.constant 4 : i32
    %dma_start3A_52 = arith.constant 0 : i32
    %dma_start3A_53 = arith.constant 0 : i32
    %dma_start3A_54 = tpu.memref_slice %arg6[%dma_start3A_51, %dma_start3A_52, %dma_start3A_53] : memref<6x128x128xf32, #tpu.memory_space<vmem>> -> memref<1x128x128xf32, #tpu.memory_space<vmem>>
    %dma_start3A_55 = tpu.memref_squeeze %dma_start3A_54 : memref<1x128x128xf32, #tpu.memory_space<vmem>> -> memref<128x128xf32, #tpu.memory_space<vmem>>
    %dma_start3A_56 = arith.constant 0 : i32
    %dma_start3A_57 = tpu.memref_slice %arg5[%dma_start3A_50, %dma_start3A_56] : memref<50x128xi32, #tpu.memory_space<vmem>> -> memref<1x128xi32, #tpu.memory_space<vmem>>
    %dma_start3A_58 = tpu.memref_squeeze %dma_start3A_57 : memref<1x128xi32, #tpu.memory_space<vmem>> -> memref<128xi32, #tpu.memory_space<vmem>>
    %dma_start3A_59 = arith.constant 0 : i32
    %dma_start3A_60 = arith.constant 0 : i32
    %dma_start3A_61 = tpu.memref_slice %arg3[%dma_start3A_59, %dma_start3A_60] : memref<100000x128xf32, #tpu.memory_space<hbm>> -> memref<100000x128xf32, #tpu.memory_space<hbm>>
    tpu.enqueue_indirect_dma source(%dma_start3A_61 : memref<100000x128xf32, #tpu.memory_space<hbm>>) target(%dma_start3A_55 : memref<128x128xf32, #tpu.memory_space<vmem>>) offsets(%dma_start3A_58 : memref<128xi32, #tpu.memory_space<vmem>>) semaphore(%arg11 : memref<!tpu.dma_semaphore, #tpu.memory_space<semaphore_mem>>)
    %dma_wait3A = arith.constant 0 : i32
    %dma_wait3A_62 = arith.constant 0 : i32
    %dma_wait3A_63 = arith.constant 0 : i32
    %dma_wait3A_64 = arith.constant 0 : i32
    %dma_wait3A_65 = tpu.memref_slice %arg6[%dma_wait3A_62, %dma_wait3A_63, %dma_wait3A_64] : memref<6x128x128xf32, #tpu.memory_space<vmem>> -> memref<1x128x128xf32, #tpu.memory_space<vmem>>
    %dma_wait3A_66 = tpu.memref_squeeze %dma_wait3A_65 : memref<1x128x128xf32, #tpu.memory_space<vmem>> -> memref<128x128xf32, #tpu.memory_space<vmem>>
    %dma_wait3A_67 = arith.constant 0 : i32
    %dma_wait3A_68 = tpu.memref_slice %arg5[%dma_wait3A, %dma_wait3A_67] : memref<50x128xi32, #tpu.memory_space<vmem>> -> memref<1x128xi32, #tpu.memory_space<vmem>>
    %dma_wait3A_69 = tpu.memref_squeeze %dma_wait3A_68 : memref<1x128xi32, #tpu.memory_space<vmem>> -> memref<128xi32, #tpu.memory_space<vmem>>
    %dma_wait3A_70 = arith.constant 0 : i32
    %dma_wait3A_71 = arith.constant 0 : i32
    %dma_wait3A_72 = tpu.memref_slice %arg3[%dma_wait3A_70, %dma_wait3A_71] : memref<100000x128xf32, #tpu.memory_space<hbm>> -> memref<100000x128xf32, #tpu.memory_space<hbm>>
    tpu.wait_indirect_dma semaphore(%arg7 : memref<!tpu.dma_semaphore, #tpu.memory_space<semaphore_mem>>) src(%dma_wait3A_72 : memref<100000x128xf32, #tpu.memory_space<hbm>>) dst(%dma_wait3A_66 : memref<128x128xf32, #tpu.memory_space<vmem>>)
    %add3A_73 = arith.constant 0 : i32
    %add3A_74 = arith.addi %mul3A_2, %add3A_73 : i32
    %mul3A_75 = arith.constant 128 : i32
    %mul3A_76 = arith.muli %add3A_74, %mul3A_75 : i32
    %dma_start3A_77 = arith.constant 0 : i32
    %dma_start3A_78 = arith.constant 0 : i32
    %dma_start3A_79 = arith.constant 0 : i32
    %dma_start3A_80 = tpu.memref_slice %arg6[%dma_start3A_77, %dma_start3A_78, %dma_start3A_79] : memref<6x128x128xf32, #tpu.memory_space<vmem>> -> memref<1x128x128xf32, #tpu.memory_space<vmem>>
    %dma_start3A_81 = tpu.memref_squeeze %dma_start3A_80 : memref<1x128x128xf32, #tpu.memory_space<vmem>> -> memref<128x128xf32, #tpu.memory_space<vmem>>
    %dma_start3A_82 = arith.constant 0 : i32
    %dma_start3A_83 = tpu.memref_slice %arg4[%mul3A_76, %dma_start3A_82] : memref<204800x128xf32, #tpu.memory_space<hbm>> -> memref<128x128xf32, #tpu.memory_space<hbm>>
    %dma_start3A_84 = arith.constant 0 : i32
    %dma_start3A_85 = tpu.memref_slice %arg4[%mul3A_76, %dma_start3A_84] : memref<204800x128xf32, #tpu.memory_space<hbm>> -> memref<128x128xf32, #tpu.memory_space<hbm>>
    %dma_start3A_86 = arith.constant 0 : i32
    %dma_start3A_87 = arith.constant 0 : i32
    %dma_start3A_88 = tpu.memref_slice %arg6[%dma_start3A_77, %dma_start3A_86, %dma_start3A_87] : memref<6x128x128xf32, #tpu.memory_space<vmem>> -> memref<1x128x128xf32, #tpu.memory_space<vmem>>
    %dma_start3A_89 = tpu.memref_squeeze %dma_start3A_88 : memref<1x128x128xf32, #tpu.memory_space<vmem>> -> memref<128x128xf32, #tpu.memory_space<vmem>>
    tpu.enqueue_dma source(%dma_start3A_89 : memref<128x128xf32, #tpu.memory_space<vmem>>) target(%dma_start3A_85 : memref<128x128xf32, #tpu.memory_space<hbm>>) target_semaphore(%arg13 : memref<!tpu.dma_semaphore, #tpu.memory_space<semaphore_mem>>)
    %dma_start3A_90 = arith.constant 5 : i32
    %dma_start3A_91 = arith.constant 5 : i32
    %dma_start3A_92 = arith.constant 0 : i32
    %dma_start3A_93 = arith.constant 0 : i32
    %dma_start3A_94 = tpu.memref_slice %arg6[%dma_start3A_91, %dma_start3A_92, %dma_start3A_93] : memref<6x128x128xf32, #tpu.memory_space<vmem>> -> memref<1x128x128xf32, #tpu.memory_space<vmem>>
    %dma_start3A_95 = tpu.memref_squeeze %dma_start3A_94 : memref<1x128x128xf32, #tpu.memory_space<vmem>> -> memref<128x128xf32, #tpu.memory_space<vmem>>
    %dma_start3A_96 = arith.constant 0 : i32
    %dma_start3A_97 = tpu.memref_slice %arg5[%dma_start3A_90, %dma_start3A_96] : memref<50x128xi32, #tpu.memory_space<vmem>> -> memref<1x128xi32, #tpu.memory_space<vmem>>
    %dma_start3A_98 = tpu.memref_squeeze %dma_start3A_97 : memref<1x128xi32, #tpu.memory_space<vmem>> -> memref<128xi32, #tpu.memory_space<vmem>>
    %dma_start3A_99 = arith.constant 0 : i32
    %dma_start3A_100 = arith.constant 0 : i32
    %dma_start3A_101 = tpu.memref_slice %arg3[%dma_start3A_99, %dma_start3A_100] : memref<100000x128xf32, #tpu.memory_space<hbm>> -> memref<100000x128xf32, #tpu.memory_space<hbm>>
    tpu.enqueue_indirect_dma source(%dma_start3A_101 : memref<100000x128xf32, #tpu.memory_space<hbm>>) target(%dma_start3A_95 : memref<128x128xf32, #tpu.memory_space<vmem>>) offsets(%dma_start3A_98 : memref<128xi32, #tpu.memory_space<vmem>>) semaphore(%arg12 : memref<!tpu.dma_semaphore, #tpu.memory_space<semaphore_mem>>)
    %scan3A = arith.constant 0 : i32
    %scan3A_102 = arith.constant 0 : i32
    %scan3A_103 = arith.constant 7 : i32
    %scan3A_104 = arith.addi %scan3A_102, %scan3A_103 : i32
    %scan3A_105 = arith.constant 1 : i32
    scf.for %scan3A_454 = %scan3A_102 to %scan3A_104 step %scan3A_105  : i32 {
      %mul3A_455 = arith.constant 6 : i32
      %mul3A_456 = arith.muli %mul3A_455, %scan3A_454 : i32
      %add3A_457 = arith.constant 1 : i32
      %add3A_458 = arith.addi %add3A_457, %mul3A_456 : i32
      %add3A_459 = arith.constant 0 : i32
      %add3A_460 = arith.addi %add3A_458, %add3A_459 : i32
      %dma_wait3A_461 = arith.constant 1 : i32
      %dma_wait3A_462 = arith.constant 0 : i32
      %dma_wait3A_463 = arith.constant 0 : i32
      %dma_wait3A_464 = tpu.memref_slice %arg6[%dma_wait3A_461, %dma_wait3A_462, %dma_wait3A_463] : memref<6x128x128xf32, #tpu.memory_space<vmem>> -> memref<1x128x128xf32, #tpu.memory_space<vmem>>
      %dma_wait3A_465 = tpu.memref_squeeze %dma_wait3A_464 : memref<1x128x128xf32, #tpu.memory_space<vmem>> -> memref<128x128xf32, #tpu.memory_space<vmem>>
      %dma_wait3A_466 = arith.constant 0 : i32
      %dma_wait3A_467 = tpu.memref_slice %arg5[%add3A_460, %dma_wait3A_466] : memref<50x128xi32, #tpu.memory_space<vmem>> -> memref<1x128xi32, #tpu.memory_space<vmem>>
      %dma_wait3A_468 = tpu.memref_squeeze %dma_wait3A_467 : memref<1x128xi32, #tpu.memory_space<vmem>> -> memref<128xi32, #tpu.memory_space<vmem>>
      %dma_wait3A_469 = arith.constant 0 : i32
      %dma_wait3A_470 = arith.constant 0 : i32
      %dma_wait3A_471 = tpu.memref_slice %arg3[%dma_wait3A_469, %dma_wait3A_470] : memref<100000x128xf32, #tpu.memory_space<hbm>> -> memref<100000x128xf32, #tpu.memory_space<hbm>>
      tpu.wait_indirect_dma semaphore(%arg8 : memref<!tpu.dma_semaphore, #tpu.memory_space<semaphore_mem>>) src(%dma_wait3A_471 : memref<100000x128xf32, #tpu.memory_space<hbm>>) dst(%dma_wait3A_465 : memref<128x128xf32, #tpu.memory_space<vmem>>)
      %add3A_472 = arith.addi %mul3A_2, %add3A_460 : i32
      %mul3A_473 = arith.constant 128 : i32
      %mul3A_474 = arith.muli %add3A_472, %mul3A_473 : i32
      %dma_start3A_475 = arith.constant 1 : i32
      %dma_start3A_476 = arith.constant 0 : i32
      %dma_start3A_477 = arith.constant 0 : i32
      %dma_start3A_478 = tpu.memref_slice %arg6[%dma_start3A_475, %dma_start3A_476, %dma_start3A_477] : memref<6x128x128xf32, #tpu.memory_space<vmem>> -> memref<1x128x128xf32, #tpu.memory_space<vmem>>
      %dma_start3A_479 = tpu.memref_squeeze %dma_start3A_478 : memref<1x128x128xf32, #tpu.memory_space<vmem>> -> memref<128x128xf32, #tpu.memory_space<vmem>>
      %dma_start3A_480 = arith.constant 0 : i32
      %dma_start3A_481 = tpu.memref_slice %arg4[%mul3A_474, %dma_start3A_480] : memref<204800x128xf32, #tpu.memory_space<hbm>> -> memref<128x128xf32, #tpu.memory_space<hbm>>
      %dma_start3A_482 = arith.constant 0 : i32
      %dma_start3A_483 = tpu.memref_slice %arg4[%mul3A_474, %dma_start3A_482] : memref<204800x128xf32, #tpu.memory_space<hbm>> -> memref<128x128xf32, #tpu.memory_space<hbm>>
      %dma_start3A_484 = arith.constant 0 : i32
      %dma_start3A_485 = arith.constant 0 : i32
      %dma_start3A_486 = tpu.memref_slice %arg6[%dma_start3A_475, %dma_start3A_484, %dma_start3A_485] : memref<6x128x128xf32, #tpu.memory_space<vmem>> -> memref<1x128x128xf32, #tpu.memory_space<vmem>>
      %dma_start3A_487 = tpu.memref_squeeze %dma_start3A_486 : memref<1x128x128xf32, #tpu.memory_space<vmem>> -> memref<128x128xf32, #tpu.memory_space<vmem>>
      tpu.enqueue_dma source(%dma_start3A_487 : memref<128x128xf32, #tpu.memory_space<vmem>>) target(%dma_start3A_483 : memref<128x128xf32, #tpu.memory_space<hbm>>) target_semaphore(%arg14 : memref<!tpu.dma_semaphore, #tpu.memory_space<semaphore_mem>>)
      %dma_wait3A_488 = arith.constant 0 : i32
      %dma_wait3A_489 = arith.constant 0 : i32
      %dma_wait3A_490 = arith.constant 0 : i32
      %dma_wait3A_491 = tpu.memref_slice %arg6[%dma_wait3A_488, %dma_wait3A_489, %dma_wait3A_490] : memref<6x128x128xf32, #tpu.memory_space<vmem>> -> memref<1x128x128xf32, #tpu.memory_space<vmem>>
      %dma_wait3A_492 = tpu.memref_squeeze %dma_wait3A_491 : memref<1x128x128xf32, #tpu.memory_space<vmem>> -> memref<128x128xf32, #tpu.memory_space<vmem>>
      %dma_wait3A_493 = arith.constant 0 : i32
      %dma_wait3A_494 = arith.constant 0 : i32
      %dma_wait3A_495 = tpu.memref_slice %arg4[%dma_wait3A_493, %dma_wait3A_494] : memref<204800x128xf32, #tpu.memory_space<hbm>> -> memref<128x128xf32, #tpu.memory_space<hbm>>
      %dma_wait3A_496 = arith.constant 0 : i32
      %dma_wait3A_497 = arith.constant 0 : i32
      %dma_wait3A_498 = tpu.memref_slice %arg4[%dma_wait3A_496, %dma_wait3A_497] : memref<204800x128xf32, #tpu.memory_space<hbm>> -> memref<128x128xf32, #tpu.memory_space<hbm>>
      %dma_wait3A_499 = arith.constant 0 : i32
      %dma_wait3A_500 = arith.constant 0 : i32
      %dma_wait3A_501 = tpu.memref_slice %arg6[%dma_wait3A_488, %dma_wait3A_499, %dma_wait3A_500] : memref<6x128x128xf32, #tpu.memory_space<vmem>> -> memref<1x128x128xf32, #tpu.memory_space<vmem>>
      %dma_wait3A_502 = tpu.memref_squeeze %dma_wait3A_501 : memref<1x128x128xf32, #tpu.memory_space<vmem>> -> memref<128x128xf32, #tpu.memory_space<vmem>>
      tpu.wait_dma2 semaphore(%arg13 : memref<!tpu.dma_semaphore, #tpu.memory_space<semaphore_mem>>) src(%dma_wait3A_502 : memref<128x128xf32, #tpu.memory_space<vmem>>) dst(%dma_wait3A_498 : memref<128x128xf32, #tpu.memory_space<hbm>>)
      %add3A_503 = arith.constant 6 : i32
      %add3A_504 = arith.addi %add3A_460, %add3A_503 : i32
      %sub3A = arith.constant 1 : i32
      %sub3A_505 = arith.subi %add3A_504, %sub3A : i32
      %dma_start3A_506 = arith.constant 0 : i32
      %dma_start3A_507 = arith.constant 0 : i32
      %dma_start3A_508 = arith.constant 0 : i32
      %dma_start3A_509 = tpu.memref_slice %arg6[%dma_start3A_506, %dma_start3A_507, %dma_start3A_508] : memref<6x128x128xf32, #tpu.memory_space<vmem>> -> memref<1x128x128xf32, #tpu.memory_space<vmem>>
      %dma_start3A_510 = tpu.memref_squeeze %dma_start3A_509 : memref<1x128x128xf32, #tpu.memory_space<vmem>> -> memref<128x128xf32, #tpu.memory_space<vmem>>
      %dma_start3A_511 = arith.constant 0 : i32
      %dma_start3A_512 = tpu.memref_slice %arg5[%sub3A_505, %dma_start3A_511] : memref<50x128xi32, #tpu.memory_space<vmem>> -> memref<1x128xi32, #tpu.memory_space<vmem>>
      %dma_start3A_513 = tpu.memref_squeeze %dma_start3A_512 : memref<1x128xi32, #tpu.memory_space<vmem>> -> memref<128xi32, #tpu.memory_space<vmem>>
      %dma_start3A_514 = arith.constant 0 : i32
      %dma_start3A_515 = arith.constant 0 : i32
      %dma_start3A_516 = tpu.memref_slice %arg3[%dma_start3A_514, %dma_start3A_515] : memref<100000x128xf32, #tpu.memory_space<hbm>> -> memref<100000x128xf32, #tpu.memory_space<hbm>>
      tpu.enqueue_indirect_dma source(%dma_start3A_516 : memref<100000x128xf32, #tpu.memory_space<hbm>>) target(%dma_start3A_510 : memref<128x128xf32, #tpu.memory_space<vmem>>) offsets(%dma_start3A_513 : memref<128xi32, #tpu.memory_space<vmem>>) semaphore(%arg7 : memref<!tpu.dma_semaphore, #tpu.memory_space<semaphore_mem>>)
      %mul3A_517 = arith.constant 6 : i32
      %mul3A_518 = arith.muli %mul3A_517, %scan3A_454 : i32
      %add3A_519 = arith.constant 1 : i32
      %add3A_520 = arith.addi %add3A_519, %mul3A_518 : i32
      %add3A_521 = arith.constant 1 : i32
      %add3A_522 = arith.addi %add3A_520, %add3A_521 : i32
      %dma_wait3A_523 = arith.constant 2 : i32
      %dma_wait3A_524 = arith.constant 0 : i32
      %dma_wait3A_525 = arith.constant 0 : i32
      %dma_wait3A_526 = tpu.memref_slice %arg6[%dma_wait3A_523, %dma_wait3A_524, %dma_wait3A_525] : memref<6x128x128xf32, #tpu.memory_space<vmem>> -> memref<1x128x128xf32, #tpu.memory_space<vmem>>
      %dma_wait3A_527 = tpu.memref_squeeze %dma_wait3A_526 : memref<1x128x128xf32, #tpu.memory_space<vmem>> -> memref<128x128xf32, #tpu.memory_space<vmem>>
      %dma_wait3A_528 = arith.constant 0 : i32
      %dma_wait3A_529 = tpu.memref_slice %arg5[%add3A_522, %dma_wait3A_528] : memref<50x128xi32, #tpu.memory_space<vmem>> -> memref<1x128xi32, #tpu.memory_space<vmem>>
      %dma_wait3A_530 = tpu.memref_squeeze %dma_wait3A_529 : memref<1x128xi32, #tpu.memory_space<vmem>> -> memref<128xi32, #tpu.memory_space<vmem>>
      %dma_wait3A_531 = arith.constant 0 : i32
      %dma_wait3A_532 = arith.constant 0 : i32
      %dma_wait3A_533 = tpu.memref_slice %arg3[%dma_wait3A_531, %dma_wait3A_532] : memref<100000x128xf32, #tpu.memory_space<hbm>> -> memref<100000x128xf32, #tpu.memory_space<hbm>>
      tpu.wait_indirect_dma semaphore(%arg9 : memref<!tpu.dma_semaphore, #tpu.memory_space<semaphore_mem>>) src(%dma_wait3A_533 : memref<100000x128xf32, #tpu.memory_space<hbm>>) dst(%dma_wait3A_527 : memref<128x128xf32, #tpu.memory_space<vmem>>)
      %add3A_534 = arith.addi %mul3A_2, %add3A_522 : i32
      %mul3A_535 = arith.constant 128 : i32
      %mul3A_536 = arith.muli %add3A_534, %mul3A_535 : i32
      %dma_start3A_537 = arith.constant 2 : i32
      %dma_start3A_538 = arith.constant 0 : i32
      %dma_start3A_539 = arith.constant 0 : i32
      %dma_start3A_540 = tpu.memref_slice %arg6[%dma_start3A_537, %dma_start3A_538, %dma_start3A_539] : memref<6x128x128xf32, #tpu.memory_space<vmem>> -> memref<1x128x128xf32, #tpu.memory_space<vmem>>
      %dma_start3A_541 = tpu.memref_squeeze %dma_start3A_540 : memref<1x128x128xf32, #tpu.memory_space<vmem>> -> memref<128x128xf32, #tpu.memory_space<vmem>>
      %dma_start3A_542 = arith.constant 0 : i32
      %dma_start3A_543 = tpu.memref_slice %arg4[%mul3A_536, %dma_start3A_542] : memref<204800x128xf32, #tpu.memory_space<hbm>> -> memref<128x128xf32, #tpu.memory_space<hbm>>
      %dma_start3A_544 = arith.constant 0 : i32
      %dma_start3A_545 = tpu.memref_slice %arg4[%mul3A_536, %dma_start3A_544] : memref<204800x128xf32, #tpu.memory_space<hbm>> -> memref<128x128xf32, #tpu.memory_space<hbm>>
      %dma_start3A_546 = arith.constant 0 : i32
      %dma_start3A_547 = arith.constant 0 : i32
      %dma_start3A_548 = tpu.memref_slice %arg6[%dma_start3A_537, %dma_start3A_546, %dma_start3A_547] : memref<6x128x128xf32, #tpu.memory_space<vmem>> -> memref<1x128x128xf32, #tpu.memory_space<vmem>>
      %dma_start3A_549 = tpu.memref_squeeze %dma_start3A_548 : memref<1x128x128xf32, #tpu.memory_space<vmem>> -> memref<128x128xf32, #tpu.memory_space<vmem>>
      tpu.enqueue_dma source(%dma_start3A_549 : memref<128x128xf32, #tpu.memory_space<vmem>>) target(%dma_start3A_545 : memref<128x128xf32, #tpu.memory_space<hbm>>) target_semaphore(%arg15 : memref<!tpu.dma_semaphore, #tpu.memory_space<semaphore_mem>>)
      %dma_wait3A_550 = arith.constant 1 : i32
      %dma_wait3A_551 = arith.constant 0 : i32
      %dma_wait3A_552 = arith.constant 0 : i32
      %dma_wait3A_553 = tpu.memref_slice %arg6[%dma_wait3A_550, %dma_wait3A_551, %dma_wait3A_552] : memref<6x128x128xf32, #tpu.memory_space<vmem>> -> memref<1x128x128xf32, #tpu.memory_space<vmem>>
      %dma_wait3A_554 = tpu.memref_squeeze %dma_wait3A_553 : memref<1x128x128xf32, #tpu.memory_space<vmem>> -> memref<128x128xf32, #tpu.memory_space<vmem>>
      %dma_wait3A_555 = arith.constant 0 : i32
      %dma_wait3A_556 = arith.constant 0 : i32
      %dma_wait3A_557 = tpu.memref_slice %arg4[%dma_wait3A_555, %dma_wait3A_556] : memref<204800x128xf32, #tpu.memory_space<hbm>> -> memref<128x128xf32, #tpu.memory_space<hbm>>
      %dma_wait3A_558 = arith.constant 0 : i32
      %dma_wait3A_559 = arith.constant 0 : i32
      %dma_wait3A_560 = tpu.memref_slice %arg4[%dma_wait3A_558, %dma_wait3A_559] : memref<204800x128xf32, #tpu.memory_space<hbm>> -> memref<128x128xf32, #tpu.memory_space<hbm>>
      %dma_wait3A_561 = arith.constant 0 : i32
      %dma_wait3A_562 = arith.constant 0 : i32
      %dma_wait3A_563 = tpu.memref_slice %arg6[%dma_wait3A_550, %dma_wait3A_561, %dma_wait3A_562] : memref<6x128x128xf32, #tpu.memory_space<vmem>> -> memref<1x128x128xf32, #tpu.memory_space<vmem>>
      %dma_wait3A_564 = tpu.memref_squeeze %dma_wait3A_563 : memref<1x128x128xf32, #tpu.memory_space<vmem>> -> memref<128x128xf32, #tpu.memory_space<vmem>>
      tpu.wait_dma2 semaphore(%arg14 : memref<!tpu.dma_semaphore, #tpu.memory_space<semaphore_mem>>) src(%dma_wait3A_564 : memref<128x128xf32, #tpu.memory_space<vmem>>) dst(%dma_wait3A_560 : memref<128x128xf32, #tpu.memory_space<hbm>>)
      %add3A_565 = arith.constant 6 : i32
      %add3A_566 = arith.addi %add3A_522, %add3A_565 : i32
      %sub3A_567 = arith.constant 1 : i32
      %sub3A_568 = arith.subi %add3A_566, %sub3A_567 : i32
      %dma_start3A_569 = arith.constant 1 : i32
      %dma_start3A_570 = arith.constant 0 : i32
      %dma_start3A_571 = arith.constant 0 : i32
      %dma_start3A_572 = tpu.memref_slice %arg6[%dma_start3A_569, %dma_start3A_570, %dma_start3A_571] : memref<6x128x128xf32, #tpu.memory_space<vmem>> -> memref<1x128x128xf32, #tpu.memory_space<vmem>>
      %dma_start3A_573 = tpu.memref_squeeze %dma_start3A_572 : memref<1x128x128xf32, #tpu.memory_space<vmem>> -> memref<128x128xf32, #tpu.memory_space<vmem>>
      %dma_start3A_574 = arith.constant 0 : i32
      %dma_start3A_575 = tpu.memref_slice %arg5[%sub3A_568, %dma_start3A_574] : memref<50x128xi32, #tpu.memory_space<vmem>> -> memref<1x128xi32, #tpu.memory_space<vmem>>
      %dma_start3A_576 = tpu.memref_squeeze %dma_start3A_575 : memref<1x128xi32, #tpu.memory_space<vmem>> -> memref<128xi32, #tpu.memory_space<vmem>>
      %dma_start3A_577 = arith.constant 0 : i32
      %dma_start3A_578 = arith.constant 0 : i32
      %dma_start3A_579 = tpu.memref_slice %arg3[%dma_start3A_577, %dma_start3A_578] : memref<100000x128xf32, #tpu.memory_space<hbm>> -> memref<100000x128xf32, #tpu.memory_space<hbm>>
      tpu.enqueue_indirect_dma source(%dma_start3A_579 : memref<100000x128xf32, #tpu.memory_space<hbm>>) target(%dma_start3A_573 : memref<128x128xf32, #tpu.memory_space<vmem>>) offsets(%dma_start3A_576 : memref<128xi32, #tpu.memory_space<vmem>>) semaphore(%arg8 : memref<!tpu.dma_semaphore, #tpu.memory_space<semaphore_mem>>)
      %mul3A_580 = arith.constant 6 : i32
      %mul3A_581 = arith.muli %mul3A_580, %scan3A_454 : i32
      %add3A_582 = arith.constant 1 : i32
      %add3A_583 = arith.addi %add3A_582, %mul3A_581 : i32
      %add3A_584 = arith.constant 2 : i32
      %add3A_585 = arith.addi %add3A_583, %add3A_584 : i32
      %dma_wait3A_586 = arith.constant 3 : i32
      %dma_wait3A_587 = arith.constant 0 : i32
      %dma_wait3A_588 = arith.constant 0 : i32
      %dma_wait3A_589 = tpu.memref_slice %arg6[%dma_wait3A_586, %dma_wait3A_587, %dma_wait3A_588] : memref<6x128x128xf32, #tpu.memory_space<vmem>> -> memref<1x128x128xf32, #tpu.memory_space<vmem>>
      %dma_wait3A_590 = tpu.memref_squeeze %dma_wait3A_589 : memref<1x128x128xf32, #tpu.memory_space<vmem>> -> memref<128x128xf32, #tpu.memory_space<vmem>>
      %dma_wait3A_591 = arith.constant 0 : i32
      %dma_wait3A_592 = tpu.memref_slice %arg5[%add3A_585, %dma_wait3A_591] : memref<50x128xi32, #tpu.memory_space<vmem>> -> memref<1x128xi32, #tpu.memory_space<vmem>>
      %dma_wait3A_593 = tpu.memref_squeeze %dma_wait3A_592 : memref<1x128xi32, #tpu.memory_space<vmem>> -> memref<128xi32, #tpu.memory_space<vmem>>
      %dma_wait3A_594 = arith.constant 0 : i32
      %dma_wait3A_595 = arith.constant 0 : i32
      %dma_wait3A_596 = tpu.memref_slice %arg3[%dma_wait3A_594, %dma_wait3A_595] : memref<100000x128xf32, #tpu.memory_space<hbm>> -> memref<100000x128xf32, #tpu.memory_space<hbm>>
      tpu.wait_indirect_dma semaphore(%arg10 : memref<!tpu.dma_semaphore, #tpu.memory_space<semaphore_mem>>) src(%dma_wait3A_596 : memref<100000x128xf32, #tpu.memory_space<hbm>>) dst(%dma_wait3A_590 : memref<128x128xf32, #tpu.memory_space<vmem>>)
      %add3A_597 = arith.addi %mul3A_2, %add3A_585 : i32
      %mul3A_598 = arith.constant 128 : i32
      %mul3A_599 = arith.muli %add3A_597, %mul3A_598 : i32
      %dma_start3A_600 = arith.constant 3 : i32
      %dma_start3A_601 = arith.constant 0 : i32
      %dma_start3A_602 = arith.constant 0 : i32
      %dma_start3A_603 = tpu.memref_slice %arg6[%dma_start3A_600, %dma_start3A_601, %dma_start3A_602] : memref<6x128x128xf32, #tpu.memory_space<vmem>> -> memref<1x128x128xf32, #tpu.memory_space<vmem>>
      %dma_start3A_604 = tpu.memref_squeeze %dma_start3A_603 : memref<1x128x128xf32, #tpu.memory_space<vmem>> -> memref<128x128xf32, #tpu.memory_space<vmem>>
      %dma_start3A_605 = arith.constant 0 : i32
      %dma_start3A_606 = tpu.memref_slice %arg4[%mul3A_599, %dma_start3A_605] : memref<204800x128xf32, #tpu.memory_space<hbm>> -> memref<128x128xf32, #tpu.memory_space<hbm>>
      %dma_start3A_607 = arith.constant 0 : i32
      %dma_start3A_608 = tpu.memref_slice %arg4[%mul3A_599, %dma_start3A_607] : memref<204800x128xf32, #tpu.memory_space<hbm>> -> memref<128x128xf32, #tpu.memory_space<hbm>>
      %dma_start3A_609 = arith.constant 0 : i32
      %dma_start3A_610 = arith.constant 0 : i32
      %dma_start3A_611 = tpu.memref_slice %arg6[%dma_start3A_600, %dma_start3A_609, %dma_start3A_610] : memref<6x128x128xf32, #tpu.memory_space<vmem>> -> memref<1x128x128xf32, #tpu.memory_space<vmem>>
      %dma_start3A_612 = tpu.memref_squeeze %dma_start3A_611 : memref<1x128x128xf32, #tpu.memory_space<vmem>> -> memref<128x128xf32, #tpu.memory_space<vmem>>
      tpu.enqueue_dma source(%dma_start3A_612 : memref<128x128xf32, #tpu.memory_space<vmem>>) target(%dma_start3A_608 : memref<128x128xf32, #tpu.memory_space<hbm>>) target_semaphore(%arg16 : memref<!tpu.dma_semaphore, #tpu.memory_space<semaphore_mem>>)
      %dma_wait3A_613 = arith.constant 2 : i32
      %dma_wait3A_614 = arith.constant 0 : i32
      %dma_wait3A_615 = arith.constant 0 : i32
      %dma_wait3A_616 = tpu.memref_slice %arg6[%dma_wait3A_613, %dma_wait3A_614, %dma_wait3A_615] : memref<6x128x128xf32, #tpu.memory_space<vmem>> -> memref<1x128x128xf32, #tpu.memory_space<vmem>>
      %dma_wait3A_617 = tpu.memref_squeeze %dma_wait3A_616 : memref<1x128x128xf32, #tpu.memory_space<vmem>> -> memref<128x128xf32, #tpu.memory_space<vmem>>
      %dma_wait3A_618 = arith.constant 0 : i32
      %dma_wait3A_619 = arith.constant 0 : i32
      %dma_wait3A_620 = tpu.memref_slice %arg4[%dma_wait3A_618, %dma_wait3A_619] : memref<204800x128xf32, #tpu.memory_space<hbm>> -> memref<128x128xf32, #tpu.memory_space<hbm>>
      %dma_wait3A_621 = arith.constant 0 : i32
      %dma_wait3A_622 = arith.constant 0 : i32
      %dma_wait3A_623 = tpu.memref_slice %arg4[%dma_wait3A_621, %dma_wait3A_622] : memref<204800x128xf32, #tpu.memory_space<hbm>> -> memref<128x128xf32, #tpu.memory_space<hbm>>
      %dma_wait3A_624 = arith.constant 0 : i32
      %dma_wait3A_625 = arith.constant 0 : i32
      %dma_wait3A_626 = tpu.memref_slice %arg6[%dma_wait3A_613, %dma_wait3A_624, %dma_wait3A_625] : memref<6x128x128xf32, #tpu.memory_space<vmem>> -> memref<1x128x128xf32, #tpu.memory_space<vmem>>
      %dma_wait3A_627 = tpu.memref_squeeze %dma_wait3A_626 : memref<1x128x128xf32, #tpu.memory_space<vmem>> -> memref<128x128xf32, #tpu.memory_space<vmem>>
      tpu.wait_dma2 semaphore(%arg15 : memref<!tpu.dma_semaphore, #tpu.memory_space<semaphore_mem>>) src(%dma_wait3A_627 : memref<128x128xf32, #tpu.memory_space<vmem>>) dst(%dma_wait3A_623 : memref<128x128xf32, #tpu.memory_space<hbm>>)
      %add3A_628 = arith.constant 6 : i32
      %add3A_629 = arith.addi %add3A_585, %add3A_628 : i32
      %sub3A_630 = arith.constant 1 : i32
      %sub3A_631 = arith.subi %add3A_629, %sub3A_630 : i32
      %dma_start3A_632 = arith.constant 2 : i32
      %dma_start3A_633 = arith.constant 0 : i32
      %dma_start3A_634 = arith.constant 0 : i32
      %dma_start3A_635 = tpu.memref_slice %arg6[%dma_start3A_632, %dma_start3A_633, %dma_start3A_634] : memref<6x128x128xf32, #tpu.memory_space<vmem>> -> memref<1x128x128xf32, #tpu.memory_space<vmem>>
      %dma_start3A_636 = tpu.memref_squeeze %dma_start3A_635 : memref<1x128x128xf32, #tpu.memory_space<vmem>> -> memref<128x128xf32, #tpu.memory_space<vmem>>
      %dma_start3A_637 = arith.constant 0 : i32
      %dma_start3A_638 = tpu.memref_slice %arg5[%sub3A_631, %dma_start3A_637] : memref<50x128xi32, #tpu.memory_space<vmem>> -> memref<1x128xi32, #tpu.memory_space<vmem>>
      %dma_start3A_639 = tpu.memref_squeeze %dma_start3A_638 : memref<1x128xi32, #tpu.memory_space<vmem>> -> memref<128xi32, #tpu.memory_space<vmem>>
      %dma_start3A_640 = arith.constant 0 : i32
      %dma_start3A_641 = arith.constant 0 : i32
      %dma_start3A_642 = tpu.memref_slice %arg3[%dma_start3A_640, %dma_start3A_641] : memref<100000x128xf32, #tpu.memory_space<hbm>> -> memref<100000x128xf32, #tpu.memory_space<hbm>>
      tpu.enqueue_indirect_dma source(%dma_start3A_642 : memref<100000x128xf32, #tpu.memory_space<hbm>>) target(%dma_start3A_636 : memref<128x128xf32, #tpu.memory_space<vmem>>) offsets(%dma_start3A_639 : memref<128xi32, #tpu.memory_space<vmem>>) semaphore(%arg9 : memref<!tpu.dma_semaphore, #tpu.memory_space<semaphore_mem>>)
      %mul3A_643 = arith.constant 6 : i32
      %mul3A_644 = arith.muli %mul3A_643, %scan3A_454 : i32
      %add3A_645 = arith.constant 1 : i32
      %add3A_646 = arith.addi %add3A_645, %mul3A_644 : i32
      %add3A_647 = arith.constant 3 : i32
      %add3A_648 = arith.addi %add3A_646, %add3A_647 : i32
      %dma_wait3A_649 = arith.constant 4 : i32
      %dma_wait3A_650 = arith.constant 0 : i32
      %dma_wait3A_651 = arith.constant 0 : i32
      %dma_wait3A_652 = tpu.memref_slice %arg6[%dma_wait3A_649, %dma_wait3A_650, %dma_wait3A_651] : memref<6x128x128xf32, #tpu.memory_space<vmem>> -> memref<1x128x128xf32, #tpu.memory_space<vmem>>
      %dma_wait3A_653 = tpu.memref_squeeze %dma_wait3A_652 : memref<1x128x128xf32, #tpu.memory_space<vmem>> -> memref<128x128xf32, #tpu.memory_space<vmem>>
      %dma_wait3A_654 = arith.constant 0 : i32
      %dma_wait3A_655 = tpu.memref_slice %arg5[%add3A_648, %dma_wait3A_654] : memref<50x128xi32, #tpu.memory_space<vmem>> -> memref<1x128xi32, #tpu.memory_space<vmem>>
      %dma_wait3A_656 = tpu.memref_squeeze %dma_wait3A_655 : memref<1x128xi32, #tpu.memory_space<vmem>> -> memref<128xi32, #tpu.memory_space<vmem>>
      %dma_wait3A_657 = arith.constant 0 : i32
      %dma_wait3A_658 = arith.constant 0 : i32
      %dma_wait3A_659 = tpu.memref_slice %arg3[%dma_wait3A_657, %dma_wait3A_658] : memref<100000x128xf32, #tpu.memory_space<hbm>> -> memref<100000x128xf32, #tpu.memory_space<hbm>>
      tpu.wait_indirect_dma semaphore(%arg11 : memref<!tpu.dma_semaphore, #tpu.memory_space<semaphore_mem>>) src(%dma_wait3A_659 : memref<100000x128xf32, #tpu.memory_space<hbm>>) dst(%dma_wait3A_653 : memref<128x128xf32, #tpu.memory_space<vmem>>)
      %add3A_660 = arith.addi %mul3A_2, %add3A_648 : i32
      %mul3A_661 = arith.constant 128 : i32
      %mul3A_662 = arith.muli %add3A_660, %mul3A_661 : i32
      %dma_start3A_663 = arith.constant 4 : i32
      %dma_start3A_664 = arith.constant 0 : i32
      %dma_start3A_665 = arith.constant 0 : i32
      %dma_start3A_666 = tpu.memref_slice %arg6[%dma_start3A_663, %dma_start3A_664, %dma_start3A_665] : memref<6x128x128xf32, #tpu.memory_space<vmem>> -> memref<1x128x128xf32, #tpu.memory_space<vmem>>
      %dma_start3A_667 = tpu.memref_squeeze %dma_start3A_666 : memref<1x128x128xf32, #tpu.memory_space<vmem>> -> memref<128x128xf32, #tpu.memory_space<vmem>>
      %dma_start3A_668 = arith.constant 0 : i32
      %dma_start3A_669 = tpu.memref_slice %arg4[%mul3A_662, %dma_start3A_668] : memref<204800x128xf32, #tpu.memory_space<hbm>> -> memref<128x128xf32, #tpu.memory_space<hbm>>
      %dma_start3A_670 = arith.constant 0 : i32
      %dma_start3A_671 = tpu.memref_slice %arg4[%mul3A_662, %dma_start3A_670] : memref<204800x128xf32, #tpu.memory_space<hbm>> -> memref<128x128xf32, #tpu.memory_space<hbm>>
      %dma_start3A_672 = arith.constant 0 : i32
      %dma_start3A_673 = arith.constant 0 : i32
      %dma_start3A_674 = tpu.memref_slice %arg6[%dma_start3A_663, %dma_start3A_672, %dma_start3A_673] : memref<6x128x128xf32, #tpu.memory_space<vmem>> -> memref<1x128x128xf32, #tpu.memory_space<vmem>>
      %dma_start3A_675 = tpu.memref_squeeze %dma_start3A_674 : memref<1x128x128xf32, #tpu.memory_space<vmem>> -> memref<128x128xf32, #tpu.memory_space<vmem>>
      tpu.enqueue_dma source(%dma_start3A_675 : memref<128x128xf32, #tpu.memory_space<vmem>>) target(%dma_start3A_671 : memref<128x128xf32, #tpu.memory_space<hbm>>) target_semaphore(%arg17 : memref<!tpu.dma_semaphore, #tpu.memory_space<semaphore_mem>>)
      %dma_wait3A_676 = arith.constant 3 : i32
      %dma_wait3A_677 = arith.constant 0 : i32
      %dma_wait3A_678 = arith.constant 0 : i32
      %dma_wait3A_679 = tpu.memref_slice %arg6[%dma_wait3A_676, %dma_wait3A_677, %dma_wait3A_678] : memref<6x128x128xf32, #tpu.memory_space<vmem>> -> memref<1x128x128xf32, #tpu.memory_space<vmem>>
      %dma_wait3A_680 = tpu.memref_squeeze %dma_wait3A_679 : memref<1x128x128xf32, #tpu.memory_space<vmem>> -> memref<128x128xf32, #tpu.memory_space<vmem>>
      %dma_wait3A_681 = arith.constant 0 : i32
      %dma_wait3A_682 = arith.constant 0 : i32
      %dma_wait3A_683 = tpu.memref_slice %arg4[%dma_wait3A_681, %dma_wait3A_682] : memref<204800x128xf32, #tpu.memory_space<hbm>> -> memref<128x128xf32, #tpu.memory_space<hbm>>
      %dma_wait3A_684 = arith.constant 0 : i32
      %dma_wait3A_685 = arith.constant 0 : i32
      %dma_wait3A_686 = tpu.memref_slice %arg4[%dma_wait3A_684, %dma_wait3A_685] : memref<204800x128xf32, #tpu.memory_space<hbm>> -> memref<128x128xf32, #tpu.memory_space<hbm>>
      %dma_wait3A_687 = arith.constant 0 : i32
      %dma_wait3A_688 = arith.constant 0 : i32
      %dma_wait3A_689 = tpu.memref_slice %arg6[%dma_wait3A_676, %dma_wait3A_687, %dma_wait3A_688] : memref<6x128x128xf32, #tpu.memory_space<vmem>> -> memref<1x128x128xf32, #tpu.memory_space<vmem>>
      %dma_wait3A_690 = tpu.memref_squeeze %dma_wait3A_689 : memref<1x128x128xf32, #tpu.memory_space<vmem>> -> memref<128x128xf32, #tpu.memory_space<vmem>>
      tpu.wait_dma2 semaphore(%arg16 : memref<!tpu.dma_semaphore, #tpu.memory_space<semaphore_mem>>) src(%dma_wait3A_690 : memref<128x128xf32, #tpu.memory_space<vmem>>) dst(%dma_wait3A_686 : memref<128x128xf32, #tpu.memory_space<hbm>>)
      %add3A_691 = arith.constant 6 : i32
      %add3A_692 = arith.addi %add3A_648, %add3A_691 : i32
      %sub3A_693 = arith.constant 1 : i32
      %sub3A_694 = arith.subi %add3A_692, %sub3A_693 : i32
      %dma_start3A_695 = arith.constant 3 : i32
      %dma_start3A_696 = arith.constant 0 : i32
      %dma_start3A_697 = arith.constant 0 : i32
      %dma_start3A_698 = tpu.memref_slice %arg6[%dma_start3A_695, %dma_start3A_696, %dma_start3A_697] : memref<6x128x128xf32, #tpu.memory_space<vmem>> -> memref<1x128x128xf32, #tpu.memory_space<vmem>>
      %dma_start3A_699 = tpu.memref_squeeze %dma_start3A_698 : memref<1x128x128xf32, #tpu.memory_space<vmem>> -> memref<128x128xf32, #tpu.memory_space<vmem>>
      %dma_start3A_700 = arith.constant 0 : i32
      %dma_start3A_701 = tpu.memref_slice %arg5[%sub3A_694, %dma_start3A_700] : memref<50x128xi32, #tpu.memory_space<vmem>> -> memref<1x128xi32, #tpu.memory_space<vmem>>
      %dma_start3A_702 = tpu.memref_squeeze %dma_start3A_701 : memref<1x128xi32, #tpu.memory_space<vmem>> -> memref<128xi32, #tpu.memory_space<vmem>>
      %dma_start3A_703 = arith.constant 0 : i32
      %dma_start3A_704 = arith.constant 0 : i32
      %dma_start3A_705 = tpu.memref_slice %arg3[%dma_start3A_703, %dma_start3A_704] : memref<100000x128xf32, #tpu.memory_space<hbm>> -> memref<100000x128xf32, #tpu.memory_space<hbm>>
      tpu.enqueue_indirect_dma source(%dma_start3A_705 : memref<100000x128xf32, #tpu.memory_space<hbm>>) target(%dma_start3A_699 : memref<128x128xf32, #tpu.memory_space<vmem>>) offsets(%dma_start3A_702 : memref<128xi32, #tpu.memory_space<vmem>>) semaphore(%arg10 : memref<!tpu.dma_semaphore, #tpu.memory_space<semaphore_mem>>)
      %mul3A_706 = arith.constant 6 : i32
      %mul3A_707 = arith.muli %mul3A_706, %scan3A_454 : i32
      %add3A_708 = arith.constant 1 : i32
      %add3A_709 = arith.addi %add3A_708, %mul3A_707 : i32
      %add3A_710 = arith.constant 4 : i32
      %add3A_711 = arith.addi %add3A_709, %add3A_710 : i32
      %dma_wait3A_712 = arith.constant 5 : i32
      %dma_wait3A_713 = arith.constant 0 : i32
      %dma_wait3A_714 = arith.constant 0 : i32
      %dma_wait3A_715 = tpu.memref_slice %arg6[%dma_wait3A_712, %dma_wait3A_713, %dma_wait3A_714] : memref<6x128x128xf32, #tpu.memory_space<vmem>> -> memref<1x128x128xf32, #tpu.memory_space<vmem>>
      %dma_wait3A_716 = tpu.memref_squeeze %dma_wait3A_715 : memref<1x128x128xf32, #tpu.memory_space<vmem>> -> memref<128x128xf32, #tpu.memory_space<vmem>>
      %dma_wait3A_717 = arith.constant 0 : i32
      %dma_wait3A_718 = tpu.memref_slice %arg5[%add3A_711, %dma_wait3A_717] : memref<50x128xi32, #tpu.memory_space<vmem>> -> memref<1x128xi32, #tpu.memory_space<vmem>>
      %dma_wait3A_719 = tpu.memref_squeeze %dma_wait3A_718 : memref<1x128xi32, #tpu.memory_space<vmem>> -> memref<128xi32, #tpu.memory_space<vmem>>
      %dma_wait3A_720 = arith.constant 0 : i32
      %dma_wait3A_721 = arith.constant 0 : i32
      %dma_wait3A_722 = tpu.memref_slice %arg3[%dma_wait3A_720, %dma_wait3A_721] : memref<100000x128xf32, #tpu.memory_space<hbm>> -> memref<100000x128xf32, #tpu.memory_space<hbm>>
      tpu.wait_indirect_dma semaphore(%arg12 : memref<!tpu.dma_semaphore, #tpu.memory_space<semaphore_mem>>) src(%dma_wait3A_722 : memref<100000x128xf32, #tpu.memory_space<hbm>>) dst(%dma_wait3A_716 : memref<128x128xf32, #tpu.memory_space<vmem>>)
      %add3A_723 = arith.addi %mul3A_2, %add3A_711 : i32
      %mul3A_724 = arith.constant 128 : i32
      %mul3A_725 = arith.muli %add3A_723, %mul3A_724 : i32
      %dma_start3A_726 = arith.constant 5 : i32
      %dma_start3A_727 = arith.constant 0 : i32
      %dma_start3A_728 = arith.constant 0 : i32
      %dma_start3A_729 = tpu.memref_slice %arg6[%dma_start3A_726, %dma_start3A_727, %dma_start3A_728] : memref<6x128x128xf32, #tpu.memory_space<vmem>> -> memref<1x128x128xf32, #tpu.memory_space<vmem>>
      %dma_start3A_730 = tpu.memref_squeeze %dma_start3A_729 : memref<1x128x128xf32, #tpu.memory_space<vmem>> -> memref<128x128xf32, #tpu.memory_space<vmem>>
      %dma_start3A_731 = arith.constant 0 : i32
      %dma_start3A_732 = tpu.memref_slice %arg4[%mul3A_725, %dma_start3A_731] : memref<204800x128xf32, #tpu.memory_space<hbm>> -> memref<128x128xf32, #tpu.memory_space<hbm>>
      %dma_start3A_733 = arith.constant 0 : i32
      %dma_start3A_734 = tpu.memref_slice %arg4[%mul3A_725, %dma_start3A_733] : memref<204800x128xf32, #tpu.memory_space<hbm>> -> memref<128x128xf32, #tpu.memory_space<hbm>>
      %dma_start3A_735 = arith.constant 0 : i32
      %dma_start3A_736 = arith.constant 0 : i32
      %dma_start3A_737 = tpu.memref_slice %arg6[%dma_start3A_726, %dma_start3A_735, %dma_start3A_736] : memref<6x128x128xf32, #tpu.memory_space<vmem>> -> memref<1x128x128xf32, #tpu.memory_space<vmem>>
      %dma_start3A_738 = tpu.memref_squeeze %dma_start3A_737 : memref<1x128x128xf32, #tpu.memory_space<vmem>> -> memref<128x128xf32, #tpu.memory_space<vmem>>
      tpu.enqueue_dma source(%dma_start3A_738 : memref<128x128xf32, #tpu.memory_space<vmem>>) target(%dma_start3A_734 : memref<128x128xf32, #tpu.memory_space<hbm>>) target_semaphore(%arg18 : memref<!tpu.dma_semaphore, #tpu.memory_space<semaphore_mem>>)
      %dma_wait3A_739 = arith.constant 4 : i32
      %dma_wait3A_740 = arith.constant 0 : i32
      %dma_wait3A_741 = arith.constant 0 : i32
      %dma_wait3A_742 = tpu.memref_slice %arg6[%dma_wait3A_739, %dma_wait3A_740, %dma_wait3A_741] : memref<6x128x128xf32, #tpu.memory_space<vmem>> -> memref<1x128x128xf32, #tpu.memory_space<vmem>>
      %dma_wait3A_743 = tpu.memref_squeeze %dma_wait3A_742 : memref<1x128x128xf32, #tpu.memory_space<vmem>> -> memref<128x128xf32, #tpu.memory_space<vmem>>
      %dma_wait3A_744 = arith.constant 0 : i32
      %dma_wait3A_745 = arith.constant 0 : i32
      %dma_wait3A_746 = tpu.memref_slice %arg4[%dma_wait3A_744, %dma_wait3A_745] : memref<204800x128xf32, #tpu.memory_space<hbm>> -> memref<128x128xf32, #tpu.memory_space<hbm>>
      %dma_wait3A_747 = arith.constant 0 : i32
      %dma_wait3A_748 = arith.constant 0 : i32
      %dma_wait3A_749 = tpu.memref_slice %arg4[%dma_wait3A_747, %dma_wait3A_748] : memref<204800x128xf32, #tpu.memory_space<hbm>> -> memref<128x128xf32, #tpu.memory_space<hbm>>
      %dma_wait3A_750 = arith.constant 0 : i32
      %dma_wait3A_751 = arith.constant 0 : i32
      %dma_wait3A_752 = tpu.memref_slice %arg6[%dma_wait3A_739, %dma_wait3A_750, %dma_wait3A_751] : memref<6x128x128xf32, #tpu.memory_space<vmem>> -> memref<1x128x128xf32, #tpu.memory_space<vmem>>
      %dma_wait3A_753 = tpu.memref_squeeze %dma_wait3A_752 : memref<1x128x128xf32, #tpu.memory_space<vmem>> -> memref<128x128xf32, #tpu.memory_space<vmem>>
      tpu.wait_dma2 semaphore(%arg17 : memref<!tpu.dma_semaphore, #tpu.memory_space<semaphore_mem>>) src(%dma_wait3A_753 : memref<128x128xf32, #tpu.memory_space<vmem>>) dst(%dma_wait3A_749 : memref<128x128xf32, #tpu.memory_space<hbm>>)
      %add3A_754 = arith.constant 6 : i32
      %add3A_755 = arith.addi %add3A_711, %add3A_754 : i32
      %sub3A_756 = arith.constant 1 : i32
      %sub3A_757 = arith.subi %add3A_755, %sub3A_756 : i32
      %dma_start3A_758 = arith.constant 4 : i32
      %dma_start3A_759 = arith.constant 0 : i32
      %dma_start3A_760 = arith.constant 0 : i32
      %dma_start3A_761 = tpu.memref_slice %arg6[%dma_start3A_758, %dma_start3A_759, %dma_start3A_760] : memref<6x128x128xf32, #tpu.memory_space<vmem>> -> memref<1x128x128xf32, #tpu.memory_space<vmem>>
      %dma_start3A_762 = tpu.memref_squeeze %dma_start3A_761 : memref<1x128x128xf32, #tpu.memory_space<vmem>> -> memref<128x128xf32, #tpu.memory_space<vmem>>
      %dma_start3A_763 = arith.constant 0 : i32
      %dma_start3A_764 = tpu.memref_slice %arg5[%sub3A_757, %dma_start3A_763] : memref<50x128xi32, #tpu.memory_space<vmem>> -> memref<1x128xi32, #tpu.memory_space<vmem>>
      %dma_start3A_765 = tpu.memref_squeeze %dma_start3A_764 : memref<1x128xi32, #tpu.memory_space<vmem>> -> memref<128xi32, #tpu.memory_space<vmem>>
      %dma_start3A_766 = arith.constant 0 : i32
      %dma_start3A_767 = arith.constant 0 : i32
      %dma_start3A_768 = tpu.memref_slice %arg3[%dma_start3A_766, %dma_start3A_767] : memref<100000x128xf32, #tpu.memory_space<hbm>> -> memref<100000x128xf32, #tpu.memory_space<hbm>>
      tpu.enqueue_indirect_dma source(%dma_start3A_768 : memref<100000x128xf32, #tpu.memory_space<hbm>>) target(%dma_start3A_762 : memref<128x128xf32, #tpu.memory_space<vmem>>) offsets(%dma_start3A_765 : memref<128xi32, #tpu.memory_space<vmem>>) semaphore(%arg11 : memref<!tpu.dma_semaphore, #tpu.memory_space<semaphore_mem>>)
      %mul3A_769 = arith.constant 6 : i32
      %mul3A_770 = arith.muli %mul3A_769, %scan3A_454 : i32
      %add3A_771 = arith.constant 1 : i32
      %add3A_772 = arith.addi %add3A_771, %mul3A_770 : i32
      %add3A_773 = arith.constant 5 : i32
      %add3A_774 = arith.addi %add3A_772, %add3A_773 : i32
      %dma_wait3A_775 = arith.constant 0 : i32
      %dma_wait3A_776 = arith.constant 0 : i32
      %dma_wait3A_777 = arith.constant 0 : i32
      %dma_wait3A_778 = tpu.memref_slice %arg6[%dma_wait3A_775, %dma_wait3A_776, %dma_wait3A_777] : memref<6x128x128xf32, #tpu.memory_space<vmem>> -> memref<1x128x128xf32, #tpu.memory_space<vmem>>
      %dma_wait3A_779 = tpu.memref_squeeze %dma_wait3A_778 : memref<1x128x128xf32, #tpu.memory_space<vmem>> -> memref<128x128xf32, #tpu.memory_space<vmem>>
      %dma_wait3A_780 = arith.constant 0 : i32
      %dma_wait3A_781 = tpu.memref_slice %arg5[%add3A_774, %dma_wait3A_780] : memref<50x128xi32, #tpu.memory_space<vmem>> -> memref<1x128xi32, #tpu.memory_space<vmem>>
      %dma_wait3A_782 = tpu.memref_squeeze %dma_wait3A_781 : memref<1x128xi32, #tpu.memory_space<vmem>> -> memref<128xi32, #tpu.memory_space<vmem>>
      %dma_wait3A_783 = arith.constant 0 : i32
      %dma_wait3A_784 = arith.constant 0 : i32
      %dma_wait3A_785 = tpu.memref_slice %arg3[%dma_wait3A_783, %dma_wait3A_784] : memref<100000x128xf32, #tpu.memory_space<hbm>> -> memref<100000x128xf32, #tpu.memory_space<hbm>>
      tpu.wait_indirect_dma semaphore(%arg7 : memref<!tpu.dma_semaphore, #tpu.memory_space<semaphore_mem>>) src(%dma_wait3A_785 : memref<100000x128xf32, #tpu.memory_space<hbm>>) dst(%dma_wait3A_779 : memref<128x128xf32, #tpu.memory_space<vmem>>)
      %add3A_786 = arith.addi %mul3A_2, %add3A_774 : i32
      %mul3A_787 = arith.constant 128 : i32
      %mul3A_788 = arith.muli %add3A_786, %mul3A_787 : i32
      %dma_start3A_789 = arith.constant 0 : i32
      %dma_start3A_790 = arith.constant 0 : i32
      %dma_start3A_791 = arith.constant 0 : i32
      %dma_start3A_792 = tpu.memref_slice %arg6[%dma_start3A_789, %dma_start3A_790, %dma_start3A_791] : memref<6x128x128xf32, #tpu.memory_space<vmem>> -> memref<1x128x128xf32, #tpu.memory_space<vmem>>
      %dma_start3A_793 = tpu.memref_squeeze %dma_start3A_792 : memref<1x128x128xf32, #tpu.memory_space<vmem>> -> memref<128x128xf32, #tpu.memory_space<vmem>>
      %dma_start3A_794 = arith.constant 0 : i32
      %dma_start3A_795 = tpu.memref_slice %arg4[%mul3A_788, %dma_start3A_794] : memref<204800x128xf32, #tpu.memory_space<hbm>> -> memref<128x128xf32, #tpu.memory_space<hbm>>
      %dma_start3A_796 = arith.constant 0 : i32
      %dma_start3A_797 = tpu.memref_slice %arg4[%mul3A_788, %dma_start3A_796] : memref<204800x128xf32, #tpu.memory_space<hbm>> -> memref<128x128xf32, #tpu.memory_space<hbm>>
      %dma_start3A_798 = arith.constant 0 : i32
      %dma_start3A_799 = arith.constant 0 : i32
      %dma_start3A_800 = tpu.memref_slice %arg6[%dma_start3A_789, %dma_start3A_798, %dma_start3A_799] : memref<6x128x128xf32, #tpu.memory_space<vmem>> -> memref<1x128x128xf32, #tpu.memory_space<vmem>>
      %dma_start3A_801 = tpu.memref_squeeze %dma_start3A_800 : memref<1x128x128xf32, #tpu.memory_space<vmem>> -> memref<128x128xf32, #tpu.memory_space<vmem>>
      tpu.enqueue_dma source(%dma_start3A_801 : memref<128x128xf32, #tpu.memory_space<vmem>>) target(%dma_start3A_797 : memref<128x128xf32, #tpu.memory_space<hbm>>) target_semaphore(%arg13 : memref<!tpu.dma_semaphore, #tpu.memory_space<semaphore_mem>>)
      %dma_wait3A_802 = arith.constant 5 : i32
      %dma_wait3A_803 = arith.constant 0 : i32
      %dma_wait3A_804 = arith.constant 0 : i32
      %dma_wait3A_805 = tpu.memref_slice %arg6[%dma_wait3A_802, %dma_wait3A_803, %dma_wait3A_804] : memref<6x128x128xf32, #tpu.memory_space<vmem>> -> memref<1x128x128xf32, #tpu.memory_space<vmem>>
      %dma_wait3A_806 = tpu.memref_squeeze %dma_wait3A_805 : memref<1x128x128xf32, #tpu.memory_space<vmem>> -> memref<128x128xf32, #tpu.memory_space<vmem>>
      %dma_wait3A_807 = arith.constant 0 : i32
      %dma_wait3A_808 = arith.constant 0 : i32
      %dma_wait3A_809 = tpu.memref_slice %arg4[%dma_wait3A_807, %dma_wait3A_808] : memref<204800x128xf32, #tpu.memory_space<hbm>> -> memref<128x128xf32, #tpu.memory_space<hbm>>
      %dma_wait3A_810 = arith.constant 0 : i32
      %dma_wait3A_811 = arith.constant 0 : i32
      %dma_wait3A_812 = tpu.memref_slice %arg4[%dma_wait3A_810, %dma_wait3A_811] : memref<204800x128xf32, #tpu.memory_space<hbm>> -> memref<128x128xf32, #tpu.memory_space<hbm>>
      %dma_wait3A_813 = arith.constant 0 : i32
      %dma_wait3A_814 = arith.constant 0 : i32
      %dma_wait3A_815 = tpu.memref_slice %arg6[%dma_wait3A_802, %dma_wait3A_813, %dma_wait3A_814] : memref<6x128x128xf32, #tpu.memory_space<vmem>> -> memref<1x128x128xf32, #tpu.memory_space<vmem>>
      %dma_wait3A_816 = tpu.memref_squeeze %dma_wait3A_815 : memref<1x128x128xf32, #tpu.memory_space<vmem>> -> memref<128x128xf32, #tpu.memory_space<vmem>>
      tpu.wait_dma2 semaphore(%arg18 : memref<!tpu.dma_semaphore, #tpu.memory_space<semaphore_mem>>) src(%dma_wait3A_816 : memref<128x128xf32, #tpu.memory_space<vmem>>) dst(%dma_wait3A_812 : memref<128x128xf32, #tpu.memory_space<hbm>>)
      %add3A_817 = arith.constant 6 : i32
      %add3A_818 = arith.addi %add3A_774, %add3A_817 : i32
      %sub3A_819 = arith.constant 1 : i32
      %sub3A_820 = arith.subi %add3A_818, %sub3A_819 : i32
      %dma_start3A_821 = arith.constant 5 : i32
      %dma_start3A_822 = arith.constant 0 : i32
      %dma_start3A_823 = arith.constant 0 : i32
      %dma_start3A_824 = tpu.memref_slice %arg6[%dma_start3A_821, %dma_start3A_822, %dma_start3A_823] : memref<6x128x128xf32, #tpu.memory_space<vmem>> -> memref<1x128x128xf32, #tpu.memory_space<vmem>>
      %dma_start3A_825 = tpu.memref_squeeze %dma_start3A_824 : memref<1x128x128xf32, #tpu.memory_space<vmem>> -> memref<128x128xf32, #tpu.memory_space<vmem>>
      %dma_start3A_826 = arith.constant 0 : i32
      %dma_start3A_827 = tpu.memref_slice %arg5[%sub3A_820, %dma_start3A_826] : memref<50x128xi32, #tpu.memory_space<vmem>> -> memref<1x128xi32, #tpu.memory_space<vmem>>
      %dma_start3A_828 = tpu.memref_squeeze %dma_start3A_827 : memref<1x128xi32, #tpu.memory_space<vmem>> -> memref<128xi32, #tpu.memory_space<vmem>>
      %dma_start3A_829 = arith.constant 0 : i32
      %dma_start3A_830 = arith.constant 0 : i32
      %dma_start3A_831 = tpu.memref_slice %arg3[%dma_start3A_829, %dma_start3A_830] : memref<100000x128xf32, #tpu.memory_space<hbm>> -> memref<100000x128xf32, #tpu.memory_space<hbm>>
      tpu.enqueue_indirect_dma source(%dma_start3A_831 : memref<100000x128xf32, #tpu.memory_space<hbm>>) target(%dma_start3A_825 : memref<128x128xf32, #tpu.memory_space<vmem>>) offsets(%dma_start3A_828 : memref<128xi32, #tpu.memory_space<vmem>>) semaphore(%arg12 : memref<!tpu.dma_semaphore, #tpu.memory_space<semaphore_mem>>)
    }
    %scan3A_106 = arith.constant 7 : i32
    %dma_wait3A_107 = arith.constant 43 : i32
    %dma_wait3A_108 = arith.constant 1 : i32
    %dma_wait3A_109 = arith.constant 0 : i32
    %dma_wait3A_110 = arith.constant 0 : i32
    %dma_wait3A_111 = tpu.memref_slice %arg6[%dma_wait3A_108, %dma_wait3A_109, %dma_wait3A_110] : memref<6x128x128xf32, #tpu.memory_space<vmem>> -> memref<1x128x128xf32, #tpu.memory_space<vmem>>
    %dma_wait3A_112 = tpu.memref_squeeze %dma_wait3A_111 : memref<1x128x128xf32, #tpu.memory_space<vmem>> -> memref<128x128xf32, #tpu.memory_space<vmem>>
    %dma_wait3A_113 = arith.constant 0 : i32
    %dma_wait3A_114 = tpu.memref_slice %arg5[%dma_wait3A_107, %dma_wait3A_113] : memref<50x128xi32, #tpu.memory_space<vmem>> -> memref<1x128xi32, #tpu.memory_space<vmem>>
    %dma_wait3A_115 = tpu.memref_squeeze %dma_wait3A_114 : memref<1x128xi32, #tpu.memory_space<vmem>> -> memref<128xi32, #tpu.memory_space<vmem>>
    %dma_wait3A_116 = arith.constant 0 : i32
    %dma_wait3A_117 = arith.constant 0 : i32
    %dma_wait3A_118 = tpu.memref_slice %arg3[%dma_wait3A_116, %dma_wait3A_117] : memref<100000x128xf32, #tpu.memory_space<hbm>> -> memref<100000x128xf32, #tpu.memory_space<hbm>>
    tpu.wait_indirect_dma semaphore(%arg8 : memref<!tpu.dma_semaphore, #tpu.memory_space<semaphore_mem>>) src(%dma_wait3A_118 : memref<100000x128xf32, #tpu.memory_space<hbm>>) dst(%dma_wait3A_112 : memref<128x128xf32, #tpu.memory_space<vmem>>)
    %add3A_119 = arith.constant 43 : i32
    %add3A_120 = arith.addi %mul3A_2, %add3A_119 : i32
    %mul3A_121 = arith.constant 128 : i32
    %mul3A_122 = arith.muli %add3A_120, %mul3A_121 : i32
    %dma_start3A_123 = arith.constant 1 : i32
    %dma_start3A_124 = arith.constant 0 : i32
    %dma_start3A_125 = arith.constant 0 : i32
    %dma_start3A_126 = tpu.memref_slice %arg6[%dma_start3A_123, %dma_start3A_124, %dma_start3A_125] : memref<6x128x128xf32, #tpu.memory_space<vmem>> -> memref<1x128x128xf32, #tpu.memory_space<vmem>>
    %dma_start3A_127 = tpu.memref_squeeze %dma_start3A_126 : memref<1x128x128xf32, #tpu.memory_space<vmem>> -> memref<128x128xf32, #tpu.memory_space<vmem>>
    %dma_start3A_128 = arith.constant 0 : i32
    %dma_start3A_129 = tpu.memref_slice %arg4[%mul3A_122, %dma_start3A_128] : memref<204800x128xf32, #tpu.memory_space<hbm>> -> memref<128x128xf32, #tpu.memory_space<hbm>>
    %dma_start3A_130 = arith.constant 0 : i32
    %dma_start3A_131 = tpu.memref_slice %arg4[%mul3A_122, %dma_start3A_130] : memref<204800x128xf32, #tpu.memory_space<hbm>> -> memref<128x128xf32, #tpu.memory_space<hbm>>
    %dma_start3A_132 = arith.constant 0 : i32
    %dma_start3A_133 = arith.constant 0 : i32
    %dma_start3A_134 = tpu.memref_slice %arg6[%dma_start3A_123, %dma_start3A_132, %dma_start3A_133] : memref<6x128x128xf32, #tpu.memory_space<vmem>> -> memref<1x128x128xf32, #tpu.memory_space<vmem>>
    %dma_start3A_135 = tpu.memref_squeeze %dma_start3A_134 : memref<1x128x128xf32, #tpu.memory_space<vmem>> -> memref<128x128xf32, #tpu.memory_space<vmem>>
    tpu.enqueue_dma source(%dma_start3A_135 : memref<128x128xf32, #tpu.memory_space<vmem>>) target(%dma_start3A_131 : memref<128x128xf32, #tpu.memory_space<hbm>>) target_semaphore(%arg14 : memref<!tpu.dma_semaphore, #tpu.memory_space<semaphore_mem>>)
    %dma_wait3A_136 = arith.constant 0 : i32
    %dma_wait3A_137 = arith.constant 0 : i32
    %dma_wait3A_138 = arith.constant 0 : i32
    %dma_wait3A_139 = tpu.memref_slice %arg6[%dma_wait3A_136, %dma_wait3A_137, %dma_wait3A_138] : memref<6x128x128xf32, #tpu.memory_space<vmem>> -> memref<1x128x128xf32, #tpu.memory_space<vmem>>
    %dma_wait3A_140 = tpu.memref_squeeze %dma_wait3A_139 : memref<1x128x128xf32, #tpu.memory_space<vmem>> -> memref<128x128xf32, #tpu.memory_space<vmem>>
    %dma_wait3A_141 = arith.constant 0 : i32
    %dma_wait3A_142 = arith.constant 0 : i32
    %dma_wait3A_143 = tpu.memref_slice %arg4[%dma_wait3A_141, %dma_wait3A_142] : memref<204800x128xf32, #tpu.memory_space<hbm>> -> memref<128x128xf32, #tpu.memory_space<hbm>>
    %dma_wait3A_144 = arith.constant 0 : i32
    %dma_wait3A_145 = arith.constant 0 : i32
    %dma_wait3A_146 = tpu.memref_slice %arg4[%dma_wait3A_144, %dma_wait3A_145] : memref<204800x128xf32, #tpu.memory_space<hbm>> -> memref<128x128xf32, #tpu.memory_space<hbm>>
    %dma_wait3A_147 = arith.constant 0 : i32
    %dma_wait3A_148 = arith.constant 0 : i32
    %dma_wait3A_149 = tpu.memref_slice %arg6[%dma_wait3A_136, %dma_wait3A_147, %dma_wait3A_148] : memref<6x128x128xf32, #tpu.memory_space<vmem>> -> memref<1x128x128xf32, #tpu.memory_space<vmem>>
    %dma_wait3A_150 = tpu.memref_squeeze %dma_wait3A_149 : memref<1x128x128xf32, #tpu.memory_space<vmem>> -> memref<128x128xf32, #tpu.memory_space<vmem>>
    tpu.wait_dma2 semaphore(%arg13 : memref<!tpu.dma_semaphore, #tpu.memory_space<semaphore_mem>>) src(%dma_wait3A_150 : memref<128x128xf32, #tpu.memory_space<vmem>>) dst(%dma_wait3A_146 : memref<128x128xf32, #tpu.memory_space<hbm>>)
    %dma_start3A_151 = arith.constant 48 : i32
    %dma_start3A_152 = arith.constant 0 : i32
    %dma_start3A_153 = arith.constant 0 : i32
    %dma_start3A_154 = arith.constant 0 : i32
    %dma_start3A_155 = tpu.memref_slice %arg6[%dma_start3A_152, %dma_start3A_153, %dma_start3A_154] : memref<6x128x128xf32, #tpu.memory_space<vmem>> -> memref<1x128x128xf32, #tpu.memory_space<vmem>>
    %dma_start3A_156 = tpu.memref_squeeze %dma_start3A_155 : memref<1x128x128xf32, #tpu.memory_space<vmem>> -> memref<128x128xf32, #tpu.memory_space<vmem>>
    %dma_start3A_157 = arith.constant 0 : i32
    %dma_start3A_158 = tpu.memref_slice %arg5[%dma_start3A_151, %dma_start3A_157] : memref<50x128xi32, #tpu.memory_space<vmem>> -> memref<1x128xi32, #tpu.memory_space<vmem>>
    %dma_start3A_159 = tpu.memref_squeeze %dma_start3A_158 : memref<1x128xi32, #tpu.memory_space<vmem>> -> memref<128xi32, #tpu.memory_space<vmem>>
    %dma_start3A_160 = arith.constant 0 : i32
    %dma_start3A_161 = arith.constant 0 : i32
    %dma_start3A_162 = tpu.memref_slice %arg3[%dma_start3A_160, %dma_start3A_161] : memref<100000x128xf32, #tpu.memory_space<hbm>> -> memref<100000x128xf32, #tpu.memory_space<hbm>>
    tpu.enqueue_indirect_dma source(%dma_start3A_162 : memref<100000x128xf32, #tpu.memory_space<hbm>>) target(%dma_start3A_156 : memref<128x128xf32, #tpu.memory_space<vmem>>) offsets(%dma_start3A_159 : memref<128xi32, #tpu.memory_space<vmem>>) semaphore(%arg7 : memref<!tpu.dma_semaphore, #tpu.memory_space<semaphore_mem>>)
    %dma_wait3A_163 = arith.constant 44 : i32
    %dma_wait3A_164 = arith.constant 2 : i32
    %dma_wait3A_165 = arith.constant 0 : i32
    %dma_wait3A_166 = arith.constant 0 : i32
    %dma_wait3A_167 = tpu.memref_slice %arg6[%dma_wait3A_164, %dma_wait3A_165, %dma_wait3A_166] : memref<6x128x128xf32, #tpu.memory_space<vmem>> -> memref<1x128x128xf32, #tpu.memory_space<vmem>>
    %dma_wait3A_168 = tpu.memref_squeeze %dma_wait3A_167 : memref<1x128x128xf32, #tpu.memory_space<vmem>> -> memref<128x128xf32, #tpu.memory_space<vmem>>
    %dma_wait3A_169 = arith.constant 0 : i32
    %dma_wait3A_170 = tpu.memref_slice %arg5[%dma_wait3A_163, %dma_wait3A_169] : memref<50x128xi32, #tpu.memory_space<vmem>> -> memref<1x128xi32, #tpu.memory_space<vmem>>
    %dma_wait3A_171 = tpu.memref_squeeze %dma_wait3A_170 : memref<1x128xi32, #tpu.memory_space<vmem>> -> memref<128xi32, #tpu.memory_space<vmem>>
    %dma_wait3A_172 = arith.constant 0 : i32
    %dma_wait3A_173 = arith.constant 0 : i32
    %dma_wait3A_174 = tpu.memref_slice %arg3[%dma_wait3A_172, %dma_wait3A_173] : memref<100000x128xf32, #tpu.memory_space<hbm>> -> memref<100000x128xf32, #tpu.memory_space<hbm>>
    tpu.wait_indirect_dma semaphore(%arg9 : memref<!tpu.dma_semaphore, #tpu.memory_space<semaphore_mem>>) src(%dma_wait3A_174 : memref<100000x128xf32, #tpu.memory_space<hbm>>) dst(%dma_wait3A_168 : memref<128x128xf32, #tpu.memory_space<vmem>>)
    %add3A_175 = arith.constant 44 : i32
    %add3A_176 = arith.addi %mul3A_2, %add3A_175 : i32
    %mul3A_177 = arith.constant 128 : i32
    %mul3A_178 = arith.muli %add3A_176, %mul3A_177 : i32
    %dma_start3A_179 = arith.constant 2 : i32
    %dma_start3A_180 = arith.constant 0 : i32
    %dma_start3A_181 = arith.constant 0 : i32
    %dma_start3A_182 = tpu.memref_slice %arg6[%dma_start3A_179, %dma_start3A_180, %dma_start3A_181] : memref<6x128x128xf32, #tpu.memory_space<vmem>> -> memref<1x128x128xf32, #tpu.memory_space<vmem>>
    %dma_start3A_183 = tpu.memref_squeeze %dma_start3A_182 : memref<1x128x128xf32, #tpu.memory_space<vmem>> -> memref<128x128xf32, #tpu.memory_space<vmem>>
    %dma_start3A_184 = arith.constant 0 : i32
    %dma_start3A_185 = tpu.memref_slice %arg4[%mul3A_178, %dma_start3A_184] : memref<204800x128xf32, #tpu.memory_space<hbm>> -> memref<128x128xf32, #tpu.memory_space<hbm>>
    %dma_start3A_186 = arith.constant 0 : i32
    %dma_start3A_187 = tpu.memref_slice %arg4[%mul3A_178, %dma_start3A_186] : memref<204800x128xf32, #tpu.memory_space<hbm>> -> memref<128x128xf32, #tpu.memory_space<hbm>>
    %dma_start3A_188 = arith.constant 0 : i32
    %dma_start3A_189 = arith.constant 0 : i32
    %dma_start3A_190 = tpu.memref_slice %arg6[%dma_start3A_179, %dma_start3A_188, %dma_start3A_189] : memref<6x128x128xf32, #tpu.memory_space<vmem>> -> memref<1x128x128xf32, #tpu.memory_space<vmem>>
    %dma_start3A_191 = tpu.memref_squeeze %dma_start3A_190 : memref<1x128x128xf32, #tpu.memory_space<vmem>> -> memref<128x128xf32, #tpu.memory_space<vmem>>
    tpu.enqueue_dma source(%dma_start3A_191 : memref<128x128xf32, #tpu.memory_space<vmem>>) target(%dma_start3A_187 : memref<128x128xf32, #tpu.memory_space<hbm>>) target_semaphore(%arg15 : memref<!tpu.dma_semaphore, #tpu.memory_space<semaphore_mem>>)
    %dma_wait3A_192 = arith.constant 1 : i32
    %dma_wait3A_193 = arith.constant 0 : i32
    %dma_wait3A_194 = arith.constant 0 : i32
    %dma_wait3A_195 = tpu.memref_slice %arg6[%dma_wait3A_192, %dma_wait3A_193, %dma_wait3A_194] : memref<6x128x128xf32, #tpu.memory_space<vmem>> -> memref<1x128x128xf32, #tpu.memory_space<vmem>>
    %dma_wait3A_196 = tpu.memref_squeeze %dma_wait3A_195 : memref<1x128x128xf32, #tpu.memory_space<vmem>> -> memref<128x128xf32, #tpu.memory_space<vmem>>
    %dma_wait3A_197 = arith.constant 0 : i32
    %dma_wait3A_198 = arith.constant 0 : i32
    %dma_wait3A_199 = tpu.memref_slice %arg4[%dma_wait3A_197, %dma_wait3A_198] : memref<204800x128xf32, #tpu.memory_space<hbm>> -> memref<128x128xf32, #tpu.memory_space<hbm>>
    %dma_wait3A_200 = arith.constant 0 : i32
    %dma_wait3A_201 = arith.constant 0 : i32
    %dma_wait3A_202 = tpu.memref_slice %arg4[%dma_wait3A_200, %dma_wait3A_201] : memref<204800x128xf32, #tpu.memory_space<hbm>> -> memref<128x128xf32, #tpu.memory_space<hbm>>
    %dma_wait3A_203 = arith.constant 0 : i32
    %dma_wait3A_204 = arith.constant 0 : i32
    %dma_wait3A_205 = tpu.memref_slice %arg6[%dma_wait3A_192, %dma_wait3A_203, %dma_wait3A_204] : memref<6x128x128xf32, #tpu.memory_space<vmem>> -> memref<1x128x128xf32, #tpu.memory_space<vmem>>
    %dma_wait3A_206 = tpu.memref_squeeze %dma_wait3A_205 : memref<1x128x128xf32, #tpu.memory_space<vmem>> -> memref<128x128xf32, #tpu.memory_space<vmem>>
    tpu.wait_dma2 semaphore(%arg14 : memref<!tpu.dma_semaphore, #tpu.memory_space<semaphore_mem>>) src(%dma_wait3A_206 : memref<128x128xf32, #tpu.memory_space<vmem>>) dst(%dma_wait3A_202 : memref<128x128xf32, #tpu.memory_space<hbm>>)
    %dma_start3A_207 = arith.constant 49 : i32
    %dma_start3A_208 = arith.constant 1 : i32
    %dma_start3A_209 = arith.constant 0 : i32
    %dma_start3A_210 = arith.constant 0 : i32
    %dma_start3A_211 = tpu.memref_slice %arg6[%dma_start3A_208, %dma_start3A_209, %dma_start3A_210] : memref<6x128x128xf32, #tpu.memory_space<vmem>> -> memref<1x128x128xf32, #tpu.memory_space<vmem>>
    %dma_start3A_212 = tpu.memref_squeeze %dma_start3A_211 : memref<1x128x128xf32, #tpu.memory_space<vmem>> -> memref<128x128xf32, #tpu.memory_space<vmem>>
    %dma_start3A_213 = arith.constant 0 : i32
    %dma_start3A_214 = tpu.memref_slice %arg5[%dma_start3A_207, %dma_start3A_213] : memref<50x128xi32, #tpu.memory_space<vmem>> -> memref<1x128xi32, #tpu.memory_space<vmem>>
    %dma_start3A_215 = tpu.memref_squeeze %dma_start3A_214 : memref<1x128xi32, #tpu.memory_space<vmem>> -> memref<128xi32, #tpu.memory_space<vmem>>
    %dma_start3A_216 = arith.constant 0 : i32
    %dma_start3A_217 = arith.constant 0 : i32
    %dma_start3A_218 = tpu.memref_slice %arg3[%dma_start3A_216, %dma_start3A_217] : memref<100000x128xf32, #tpu.memory_space<hbm>> -> memref<100000x128xf32, #tpu.memory_space<hbm>>
    tpu.enqueue_indirect_dma source(%dma_start3A_218 : memref<100000x128xf32, #tpu.memory_space<hbm>>) target(%dma_start3A_212 : memref<128x128xf32, #tpu.memory_space<vmem>>) offsets(%dma_start3A_215 : memref<128xi32, #tpu.memory_space<vmem>>) semaphore(%arg8 : memref<!tpu.dma_semaphore, #tpu.memory_space<semaphore_mem>>)
    %dma_wait3A_219 = arith.constant 45 : i32
    %dma_wait3A_220 = arith.constant 3 : i32
    %dma_wait3A_221 = arith.constant 0 : i32
    %dma_wait3A_222 = arith.constant 0 : i32
    %dma_wait3A_223 = tpu.memref_slice %arg6[%dma_wait3A_220, %dma_wait3A_221, %dma_wait3A_222] : memref<6x128x128xf32, #tpu.memory_space<vmem>> -> memref<1x128x128xf32, #tpu.memory_space<vmem>>
    %dma_wait3A_224 = tpu.memref_squeeze %dma_wait3A_223 : memref<1x128x128xf32, #tpu.memory_space<vmem>> -> memref<128x128xf32, #tpu.memory_space<vmem>>
    %dma_wait3A_225 = arith.constant 0 : i32
    %dma_wait3A_226 = tpu.memref_slice %arg5[%dma_wait3A_219, %dma_wait3A_225] : memref<50x128xi32, #tpu.memory_space<vmem>> -> memref<1x128xi32, #tpu.memory_space<vmem>>
    %dma_wait3A_227 = tpu.memref_squeeze %dma_wait3A_226 : memref<1x128xi32, #tpu.memory_space<vmem>> -> memref<128xi32, #tpu.memory_space<vmem>>
    %dma_wait3A_228 = arith.constant 0 : i32
    %dma_wait3A_229 = arith.constant 0 : i32
    %dma_wait3A_230 = tpu.memref_slice %arg3[%dma_wait3A_228, %dma_wait3A_229] : memref<100000x128xf32, #tpu.memory_space<hbm>> -> memref<100000x128xf32, #tpu.memory_space<hbm>>
    tpu.wait_indirect_dma semaphore(%arg10 : memref<!tpu.dma_semaphore, #tpu.memory_space<semaphore_mem>>) src(%dma_wait3A_230 : memref<100000x128xf32, #tpu.memory_space<hbm>>) dst(%dma_wait3A_224 : memref<128x128xf32, #tpu.memory_space<vmem>>)
    %add3A_231 = arith.constant 45 : i32
    %add3A_232 = arith.addi %mul3A_2, %add3A_231 : i32
    %mul3A_233 = arith.constant 128 : i32
    %mul3A_234 = arith.muli %add3A_232, %mul3A_233 : i32
    %dma_start3A_235 = arith.constant 3 : i32
    %dma_start3A_236 = arith.constant 0 : i32
    %dma_start3A_237 = arith.constant 0 : i32
    %dma_start3A_238 = tpu.memref_slice %arg6[%dma_start3A_235, %dma_start3A_236, %dma_start3A_237] : memref<6x128x128xf32, #tpu.memory_space<vmem>> -> memref<1x128x128xf32, #tpu.memory_space<vmem>>
    %dma_start3A_239 = tpu.memref_squeeze %dma_start3A_238 : memref<1x128x128xf32, #tpu.memory_space<vmem>> -> memref<128x128xf32, #tpu.memory_space<vmem>>
    %dma_start3A_240 = arith.constant 0 : i32
    %dma_start3A_241 = tpu.memref_slice %arg4[%mul3A_234, %dma_start3A_240] : memref<204800x128xf32, #tpu.memory_space<hbm>> -> memref<128x128xf32, #tpu.memory_space<hbm>>
    %dma_start3A_242 = arith.constant 0 : i32
    %dma_start3A_243 = tpu.memref_slice %arg4[%mul3A_234, %dma_start3A_242] : memref<204800x128xf32, #tpu.memory_space<hbm>> -> memref<128x128xf32, #tpu.memory_space<hbm>>
    %dma_start3A_244 = arith.constant 0 : i32
    %dma_start3A_245 = arith.constant 0 : i32
    %dma_start3A_246 = tpu.memref_slice %arg6[%dma_start3A_235, %dma_start3A_244, %dma_start3A_245] : memref<6x128x128xf32, #tpu.memory_space<vmem>> -> memref<1x128x128xf32, #tpu.memory_space<vmem>>
    %dma_start3A_247 = tpu.memref_squeeze %dma_start3A_246 : memref<1x128x128xf32, #tpu.memory_space<vmem>> -> memref<128x128xf32, #tpu.memory_space<vmem>>
    tpu.enqueue_dma source(%dma_start3A_247 : memref<128x128xf32, #tpu.memory_space<vmem>>) target(%dma_start3A_243 : memref<128x128xf32, #tpu.memory_space<hbm>>) target_semaphore(%arg16 : memref<!tpu.dma_semaphore, #tpu.memory_space<semaphore_mem>>)
    %dma_wait3A_248 = arith.constant 2 : i32
    %dma_wait3A_249 = arith.constant 0 : i32
    %dma_wait3A_250 = arith.constant 0 : i32
    %dma_wait3A_251 = tpu.memref_slice %arg6[%dma_wait3A_248, %dma_wait3A_249, %dma_wait3A_250] : memref<6x128x128xf32, #tpu.memory_space<vmem>> -> memref<1x128x128xf32, #tpu.memory_space<vmem>>
    %dma_wait3A_252 = tpu.memref_squeeze %dma_wait3A_251 : memref<1x128x128xf32, #tpu.memory_space<vmem>> -> memref<128x128xf32, #tpu.memory_space<vmem>>
    %dma_wait3A_253 = arith.constant 0 : i32
    %dma_wait3A_254 = arith.constant 0 : i32
    %dma_wait3A_255 = tpu.memref_slice %arg4[%dma_wait3A_253, %dma_wait3A_254] : memref<204800x128xf32, #tpu.memory_space<hbm>> -> memref<128x128xf32, #tpu.memory_space<hbm>>
    %dma_wait3A_256 = arith.constant 0 : i32
    %dma_wait3A_257 = arith.constant 0 : i32
    %dma_wait3A_258 = tpu.memref_slice %arg4[%dma_wait3A_256, %dma_wait3A_257] : memref<204800x128xf32, #tpu.memory_space<hbm>> -> memref<128x128xf32, #tpu.memory_space<hbm>>
    %dma_wait3A_259 = arith.constant 0 : i32
    %dma_wait3A_260 = arith.constant 0 : i32
    %dma_wait3A_261 = tpu.memref_slice %arg6[%dma_wait3A_248, %dma_wait3A_259, %dma_wait3A_260] : memref<6x128x128xf32, #tpu.memory_space<vmem>> -> memref<1x128x128xf32, #tpu.memory_space<vmem>>
    %dma_wait3A_262 = tpu.memref_squeeze %dma_wait3A_261 : memref<1x128x128xf32, #tpu.memory_space<vmem>> -> memref<128x128xf32, #tpu.memory_space<vmem>>
    tpu.wait_dma2 semaphore(%arg15 : memref<!tpu.dma_semaphore, #tpu.memory_space<semaphore_mem>>) src(%dma_wait3A_262 : memref<128x128xf32, #tpu.memory_space<vmem>>) dst(%dma_wait3A_258 : memref<128x128xf32, #tpu.memory_space<hbm>>)
    %dma_wait3A_263 = arith.constant 46 : i32
    %dma_wait3A_264 = arith.constant 4 : i32
    %dma_wait3A_265 = arith.constant 0 : i32
    %dma_wait3A_266 = arith.constant 0 : i32
    %dma_wait3A_267 = tpu.memref_slice %arg6[%dma_wait3A_264, %dma_wait3A_265, %dma_wait3A_266] : memref<6x128x128xf32, #tpu.memory_space<vmem>> -> memref<1x128x128xf32, #tpu.memory_space<vmem>>
    %dma_wait3A_268 = tpu.memref_squeeze %dma_wait3A_267 : memref<1x128x128xf32, #tpu.memory_space<vmem>> -> memref<128x128xf32, #tpu.memory_space<vmem>>
    %dma_wait3A_269 = arith.constant 0 : i32
    %dma_wait3A_270 = tpu.memref_slice %arg5[%dma_wait3A_263, %dma_wait3A_269] : memref<50x128xi32, #tpu.memory_space<vmem>> -> memref<1x128xi32, #tpu.memory_space<vmem>>
    %dma_wait3A_271 = tpu.memref_squeeze %dma_wait3A_270 : memref<1x128xi32, #tpu.memory_space<vmem>> -> memref<128xi32, #tpu.memory_space<vmem>>
    %dma_wait3A_272 = arith.constant 0 : i32
    %dma_wait3A_273 = arith.constant 0 : i32
    %dma_wait3A_274 = tpu.memref_slice %arg3[%dma_wait3A_272, %dma_wait3A_273] : memref<100000x128xf32, #tpu.memory_space<hbm>> -> memref<100000x128xf32, #tpu.memory_space<hbm>>
    tpu.wait_indirect_dma semaphore(%arg11 : memref<!tpu.dma_semaphore, #tpu.memory_space<semaphore_mem>>) src(%dma_wait3A_274 : memref<100000x128xf32, #tpu.memory_space<hbm>>) dst(%dma_wait3A_268 : memref<128x128xf32, #tpu.memory_space<vmem>>)
    %add3A_275 = arith.constant 46 : i32
    %add3A_276 = arith.addi %mul3A_2, %add3A_275 : i32
    %mul3A_277 = arith.constant 128 : i32
    %mul3A_278 = arith.muli %add3A_276, %mul3A_277 : i32
    %dma_start3A_279 = arith.constant 4 : i32
    %dma_start3A_280 = arith.constant 0 : i32
    %dma_start3A_281 = arith.constant 0 : i32
    %dma_start3A_282 = tpu.memref_slice %arg6[%dma_start3A_279, %dma_start3A_280, %dma_start3A_281] : memref<6x128x128xf32, #tpu.memory_space<vmem>> -> memref<1x128x128xf32, #tpu.memory_space<vmem>>
    %dma_start3A_283 = tpu.memref_squeeze %dma_start3A_282 : memref<1x128x128xf32, #tpu.memory_space<vmem>> -> memref<128x128xf32, #tpu.memory_space<vmem>>
    %dma_start3A_284 = arith.constant 0 : i32
    %dma_start3A_285 = tpu.memref_slice %arg4[%mul3A_278, %dma_start3A_284] : memref<204800x128xf32, #tpu.memory_space<hbm>> -> memref<128x128xf32, #tpu.memory_space<hbm>>
    %dma_start3A_286 = arith.constant 0 : i32
    %dma_start3A_287 = tpu.memref_slice %arg4[%mul3A_278, %dma_start3A_286] : memref<204800x128xf32, #tpu.memory_space<hbm>> -> memref<128x128xf32, #tpu.memory_space<hbm>>
    %dma_start3A_288 = arith.constant 0 : i32
    %dma_start3A_289 = arith.constant 0 : i32
    %dma_start3A_290 = tpu.memref_slice %arg6[%dma_start3A_279, %dma_start3A_288, %dma_start3A_289] : memref<6x128x128xf32, #tpu.memory_space<vmem>> -> memref<1x128x128xf32, #tpu.memory_space<vmem>>
    %dma_start3A_291 = tpu.memref_squeeze %dma_start3A_290 : memref<1x128x128xf32, #tpu.memory_space<vmem>> -> memref<128x128xf32, #tpu.memory_space<vmem>>
    tpu.enqueue_dma source(%dma_start3A_291 : memref<128x128xf32, #tpu.memory_space<vmem>>) target(%dma_start3A_287 : memref<128x128xf32, #tpu.memory_space<hbm>>) target_semaphore(%arg17 : memref<!tpu.dma_semaphore, #tpu.memory_space<semaphore_mem>>)
    %dma_wait3A_292 = arith.constant 3 : i32
    %dma_wait3A_293 = arith.constant 0 : i32
    %dma_wait3A_294 = arith.constant 0 : i32
    %dma_wait3A_295 = tpu.memref_slice %arg6[%dma_wait3A_292, %dma_wait3A_293, %dma_wait3A_294] : memref<6x128x128xf32, #tpu.memory_space<vmem>> -> memref<1x128x128xf32, #tpu.memory_space<vmem>>
    %dma_wait3A_296 = tpu.memref_squeeze %dma_wait3A_295 : memref<1x128x128xf32, #tpu.memory_space<vmem>> -> memref<128x128xf32, #tpu.memory_space<vmem>>
    %dma_wait3A_297 = arith.constant 0 : i32
    %dma_wait3A_298 = arith.constant 0 : i32
    %dma_wait3A_299 = tpu.memref_slice %arg4[%dma_wait3A_297, %dma_wait3A_298] : memref<204800x128xf32, #tpu.memory_space<hbm>> -> memref<128x128xf32, #tpu.memory_space<hbm>>
    %dma_wait3A_300 = arith.constant 0 : i32
    %dma_wait3A_301 = arith.constant 0 : i32
    %dma_wait3A_302 = tpu.memref_slice %arg4[%dma_wait3A_300, %dma_wait3A_301] : memref<204800x128xf32, #tpu.memory_space<hbm>> -> memref<128x128xf32, #tpu.memory_space<hbm>>
    %dma_wait3A_303 = arith.constant 0 : i32
    %dma_wait3A_304 = arith.constant 0 : i32
    %dma_wait3A_305 = tpu.memref_slice %arg6[%dma_wait3A_292, %dma_wait3A_303, %dma_wait3A_304] : memref<6x128x128xf32, #tpu.memory_space<vmem>> -> memref<1x128x128xf32, #tpu.memory_space<vmem>>
    %dma_wait3A_306 = tpu.memref_squeeze %dma_wait3A_305 : memref<1x128x128xf32, #tpu.memory_space<vmem>> -> memref<128x128xf32, #tpu.memory_space<vmem>>
    tpu.wait_dma2 semaphore(%arg16 : memref<!tpu.dma_semaphore, #tpu.memory_space<semaphore_mem>>) src(%dma_wait3A_306 : memref<128x128xf32, #tpu.memory_space<vmem>>) dst(%dma_wait3A_302 : memref<128x128xf32, #tpu.memory_space<hbm>>)
    %dma_wait3A_307 = arith.constant 47 : i32
    %dma_wait3A_308 = arith.constant 5 : i32
    %dma_wait3A_309 = arith.constant 0 : i32
    %dma_wait3A_310 = arith.constant 0 : i32
    %dma_wait3A_311 = tpu.memref_slice %arg6[%dma_wait3A_308, %dma_wait3A_309, %dma_wait3A_310] : memref<6x128x128xf32, #tpu.memory_space<vmem>> -> memref<1x128x128xf32, #tpu.memory_space<vmem>>
    %dma_wait3A_312 = tpu.memref_squeeze %dma_wait3A_311 : memref<1x128x128xf32, #tpu.memory_space<vmem>> -> memref<128x128xf32, #tpu.memory_space<vmem>>
    %dma_wait3A_313 = arith.constant 0 : i32
    %dma_wait3A_314 = tpu.memref_slice %arg5[%dma_wait3A_307, %dma_wait3A_313] : memref<50x128xi32, #tpu.memory_space<vmem>> -> memref<1x128xi32, #tpu.memory_space<vmem>>
    %dma_wait3A_315 = tpu.memref_squeeze %dma_wait3A_314 : memref<1x128xi32, #tpu.memory_space<vmem>> -> memref<128xi32, #tpu.memory_space<vmem>>
    %dma_wait3A_316 = arith.constant 0 : i32
    %dma_wait3A_317 = arith.constant 0 : i32
    %dma_wait3A_318 = tpu.memref_slice %arg3[%dma_wait3A_316, %dma_wait3A_317] : memref<100000x128xf32, #tpu.memory_space<hbm>> -> memref<100000x128xf32, #tpu.memory_space<hbm>>
    tpu.wait_indirect_dma semaphore(%arg12 : memref<!tpu.dma_semaphore, #tpu.memory_space<semaphore_mem>>) src(%dma_wait3A_318 : memref<100000x128xf32, #tpu.memory_space<hbm>>) dst(%dma_wait3A_312 : memref<128x128xf32, #tpu.memory_space<vmem>>)
    %add3A_319 = arith.constant 47 : i32
    %add3A_320 = arith.addi %mul3A_2, %add3A_319 : i32
    %mul3A_321 = arith.constant 128 : i32
    %mul3A_322 = arith.muli %add3A_320, %mul3A_321 : i32
    %dma_start3A_323 = arith.constant 5 : i32
    %dma_start3A_324 = arith.constant 0 : i32
    %dma_start3A_325 = arith.constant 0 : i32
    %dma_start3A_326 = tpu.memref_slice %arg6[%dma_start3A_323, %dma_start3A_324, %dma_start3A_325] : memref<6x128x128xf32, #tpu.memory_space<vmem>> -> memref<1x128x128xf32, #tpu.memory_space<vmem>>
    %dma_start3A_327 = tpu.memref_squeeze %dma_start3A_326 : memref<1x128x128xf32, #tpu.memory_space<vmem>> -> memref<128x128xf32, #tpu.memory_space<vmem>>
    %dma_start3A_328 = arith.constant 0 : i32
    %dma_start3A_329 = tpu.memref_slice %arg4[%mul3A_322, %dma_start3A_328] : memref<204800x128xf32, #tpu.memory_space<hbm>> -> memref<128x128xf32, #tpu.memory_space<hbm>>
    %dma_start3A_330 = arith.constant 0 : i32
    %dma_start3A_331 = tpu.memref_slice %arg4[%mul3A_322, %dma_start3A_330] : memref<204800x128xf32, #tpu.memory_space<hbm>> -> memref<128x128xf32, #tpu.memory_space<hbm>>
    %dma_start3A_332 = arith.constant 0 : i32
    %dma_start3A_333 = arith.constant 0 : i32
    %dma_start3A_334 = tpu.memref_slice %arg6[%dma_start3A_323, %dma_start3A_332, %dma_start3A_333] : memref<6x128x128xf32, #tpu.memory_space<vmem>> -> memref<1x128x128xf32, #tpu.memory_space<vmem>>
    %dma_start3A_335 = tpu.memref_squeeze %dma_start3A_334 : memref<1x128x128xf32, #tpu.memory_space<vmem>> -> memref<128x128xf32, #tpu.memory_space<vmem>>
    tpu.enqueue_dma source(%dma_start3A_335 : memref<128x128xf32, #tpu.memory_space<vmem>>) target(%dma_start3A_331 : memref<128x128xf32, #tpu.memory_space<hbm>>) target_semaphore(%arg18 : memref<!tpu.dma_semaphore, #tpu.memory_space<semaphore_mem>>)
    %dma_wait3A_336 = arith.constant 4 : i32
    %dma_wait3A_337 = arith.constant 0 : i32
    %dma_wait3A_338 = arith.constant 0 : i32
    %dma_wait3A_339 = tpu.memref_slice %arg6[%dma_wait3A_336, %dma_wait3A_337, %dma_wait3A_338] : memref<6x128x128xf32, #tpu.memory_space<vmem>> -> memref<1x128x128xf32, #tpu.memory_space<vmem>>
    %dma_wait3A_340 = tpu.memref_squeeze %dma_wait3A_339 : memref<1x128x128xf32, #tpu.memory_space<vmem>> -> memref<128x128xf32, #tpu.memory_space<vmem>>
    %dma_wait3A_341 = arith.constant 0 : i32
    %dma_wait3A_342 = arith.constant 0 : i32
    %dma_wait3A_343 = tpu.memref_slice %arg4[%dma_wait3A_341, %dma_wait3A_342] : memref<204800x128xf32, #tpu.memory_space<hbm>> -> memref<128x128xf32, #tpu.memory_space<hbm>>
    %dma_wait3A_344 = arith.constant 0 : i32
    %dma_wait3A_345 = arith.constant 0 : i32
    %dma_wait3A_346 = tpu.memref_slice %arg4[%dma_wait3A_344, %dma_wait3A_345] : memref<204800x128xf32, #tpu.memory_space<hbm>> -> memref<128x128xf32, #tpu.memory_space<hbm>>
    %dma_wait3A_347 = arith.constant 0 : i32
    %dma_wait3A_348 = arith.constant 0 : i32
    %dma_wait3A_349 = tpu.memref_slice %arg6[%dma_wait3A_336, %dma_wait3A_347, %dma_wait3A_348] : memref<6x128x128xf32, #tpu.memory_space<vmem>> -> memref<1x128x128xf32, #tpu.memory_space<vmem>>
    %dma_wait3A_350 = tpu.memref_squeeze %dma_wait3A_349 : memref<1x128x128xf32, #tpu.memory_space<vmem>> -> memref<128x128xf32, #tpu.memory_space<vmem>>
    tpu.wait_dma2 semaphore(%arg17 : memref<!tpu.dma_semaphore, #tpu.memory_space<semaphore_mem>>) src(%dma_wait3A_350 : memref<128x128xf32, #tpu.memory_space<vmem>>) dst(%dma_wait3A_346 : memref<128x128xf32, #tpu.memory_space<hbm>>)
    %dma_wait3A_351 = arith.constant 48 : i32
    %dma_wait3A_352 = arith.constant 0 : i32
    %dma_wait3A_353 = arith.constant 0 : i32
    %dma_wait3A_354 = arith.constant 0 : i32
    %dma_wait3A_355 = tpu.memref_slice %arg6[%dma_wait3A_352, %dma_wait3A_353, %dma_wait3A_354] : memref<6x128x128xf32, #tpu.memory_space<vmem>> -> memref<1x128x128xf32, #tpu.memory_space<vmem>>
    %dma_wait3A_356 = tpu.memref_squeeze %dma_wait3A_355 : memref<1x128x128xf32, #tpu.memory_space<vmem>> -> memref<128x128xf32, #tpu.memory_space<vmem>>
    %dma_wait3A_357 = arith.constant 0 : i32
    %dma_wait3A_358 = tpu.memref_slice %arg5[%dma_wait3A_351, %dma_wait3A_357] : memref<50x128xi32, #tpu.memory_space<vmem>> -> memref<1x128xi32, #tpu.memory_space<vmem>>
    %dma_wait3A_359 = tpu.memref_squeeze %dma_wait3A_358 : memref<1x128xi32, #tpu.memory_space<vmem>> -> memref<128xi32, #tpu.memory_space<vmem>>
    %dma_wait3A_360 = arith.constant 0 : i32
    %dma_wait3A_361 = arith.constant 0 : i32
    %dma_wait3A_362 = tpu.memref_slice %arg3[%dma_wait3A_360, %dma_wait3A_361] : memref<100000x128xf32, #tpu.memory_space<hbm>> -> memref<100000x128xf32, #tpu.memory_space<hbm>>
    tpu.wait_indirect_dma semaphore(%arg7 : memref<!tpu.dma_semaphore, #tpu.memory_space<semaphore_mem>>) src(%dma_wait3A_362 : memref<100000x128xf32, #tpu.memory_space<hbm>>) dst(%dma_wait3A_356 : memref<128x128xf32, #tpu.memory_space<vmem>>)
    %add3A_363 = arith.constant 48 : i32
    %add3A_364 = arith.addi %mul3A_2, %add3A_363 : i32
    %mul3A_365 = arith.constant 128 : i32
    %mul3A_366 = arith.muli %add3A_364, %mul3A_365 : i32
    %dma_start3A_367 = arith.constant 0 : i32
    %dma_start3A_368 = arith.constant 0 : i32
    %dma_start3A_369 = arith.constant 0 : i32
    %dma_start3A_370 = tpu.memref_slice %arg6[%dma_start3A_367, %dma_start3A_368, %dma_start3A_369] : memref<6x128x128xf32, #tpu.memory_space<vmem>> -> memref<1x128x128xf32, #tpu.memory_space<vmem>>
    %dma_start3A_371 = tpu.memref_squeeze %dma_start3A_370 : memref<1x128x128xf32, #tpu.memory_space<vmem>> -> memref<128x128xf32, #tpu.memory_space<vmem>>
    %dma_start3A_372 = arith.constant 0 : i32
    %dma_start3A_373 = tpu.memref_slice %arg4[%mul3A_366, %dma_start3A_372] : memref<204800x128xf32, #tpu.memory_space<hbm>> -> memref<128x128xf32, #tpu.memory_space<hbm>>
    %dma_start3A_374 = arith.constant 0 : i32
    %dma_start3A_375 = tpu.memref_slice %arg4[%mul3A_366, %dma_start3A_374] : memref<204800x128xf32, #tpu.memory_space<hbm>> -> memref<128x128xf32, #tpu.memory_space<hbm>>
    %dma_start3A_376 = arith.constant 0 : i32
    %dma_start3A_377 = arith.constant 0 : i32
    %dma_start3A_378 = tpu.memref_slice %arg6[%dma_start3A_367, %dma_start3A_376, %dma_start3A_377] : memref<6x128x128xf32, #tpu.memory_space<vmem>> -> memref<1x128x128xf32, #tpu.memory_space<vmem>>
    %dma_start3A_379 = tpu.memref_squeeze %dma_start3A_378 : memref<1x128x128xf32, #tpu.memory_space<vmem>> -> memref<128x128xf32, #tpu.memory_space<vmem>>
    tpu.enqueue_dma source(%dma_start3A_379 : memref<128x128xf32, #tpu.memory_space<vmem>>) target(%dma_start3A_375 : memref<128x128xf32, #tpu.memory_space<hbm>>) target_semaphore(%arg13 : memref<!tpu.dma_semaphore, #tpu.memory_space<semaphore_mem>>)
    %dma_wait3A_380 = arith.constant 5 : i32
    %dma_wait3A_381 = arith.constant 0 : i32
    %dma_wait3A_382 = arith.constant 0 : i32
    %dma_wait3A_383 = tpu.memref_slice %arg6[%dma_wait3A_380, %dma_wait3A_381, %dma_wait3A_382] : memref<6x128x128xf32, #tpu.memory_space<vmem>> -> memref<1x128x128xf32, #tpu.memory_space<vmem>>
    %dma_wait3A_384 = tpu.memref_squeeze %dma_wait3A_383 : memref<1x128x128xf32, #tpu.memory_space<vmem>> -> memref<128x128xf32, #tpu.memory_space<vmem>>
    %dma_wait3A_385 = arith.constant 0 : i32
    %dma_wait3A_386 = arith.constant 0 : i32
    %dma_wait3A_387 = tpu.memref_slice %arg4[%dma_wait3A_385, %dma_wait3A_386] : memref<204800x128xf32, #tpu.memory_space<hbm>> -> memref<128x128xf32, #tpu.memory_space<hbm>>
    %dma_wait3A_388 = arith.constant 0 : i32
    %dma_wait3A_389 = arith.constant 0 : i32
    %dma_wait3A_390 = tpu.memref_slice %arg4[%dma_wait3A_388, %dma_wait3A_389] : memref<204800x128xf32, #tpu.memory_space<hbm>> -> memref<128x128xf32, #tpu.memory_space<hbm>>
    %dma_wait3A_391 = arith.constant 0 : i32
    %dma_wait3A_392 = arith.constant 0 : i32
    %dma_wait3A_393 = tpu.memref_slice %arg6[%dma_wait3A_380, %dma_wait3A_391, %dma_wait3A_392] : memref<6x128x128xf32, #tpu.memory_space<vmem>> -> memref<1x128x128xf32, #tpu.memory_space<vmem>>
    %dma_wait3A_394 = tpu.memref_squeeze %dma_wait3A_393 : memref<1x128x128xf32, #tpu.memory_space<vmem>> -> memref<128x128xf32, #tpu.memory_space<vmem>>
    tpu.wait_dma2 semaphore(%arg18 : memref<!tpu.dma_semaphore, #tpu.memory_space<semaphore_mem>>) src(%dma_wait3A_394 : memref<128x128xf32, #tpu.memory_space<vmem>>) dst(%dma_wait3A_390 : memref<128x128xf32, #tpu.memory_space<hbm>>)
    %dma_wait3A_395 = arith.constant 49 : i32
    %dma_wait3A_396 = arith.constant 1 : i32
    %dma_wait3A_397 = arith.constant 0 : i32
    %dma_wait3A_398 = arith.constant 0 : i32
    %dma_wait3A_399 = tpu.memref_slice %arg6[%dma_wait3A_396, %dma_wait3A_397, %dma_wait3A_398] : memref<6x128x128xf32, #tpu.memory_space<vmem>> -> memref<1x128x128xf32, #tpu.memory_space<vmem>>
    %dma_wait3A_400 = tpu.memref_squeeze %dma_wait3A_399 : memref<1x128x128xf32, #tpu.memory_space<vmem>> -> memref<128x128xf32, #tpu.memory_space<vmem>>
    %dma_wait3A_401 = arith.constant 0 : i32
    %dma_wait3A_402 = tpu.memref_slice %arg5[%dma_wait3A_395, %dma_wait3A_401] : memref<50x128xi32, #tpu.memory_space<vmem>> -> memref<1x128xi32, #tpu.memory_space<vmem>>
    %dma_wait3A_403 = tpu.memref_squeeze %dma_wait3A_402 : memref<1x128xi32, #tpu.memory_space<vmem>> -> memref<128xi32, #tpu.memory_space<vmem>>
    %dma_wait3A_404 = arith.constant 0 : i32
    %dma_wait3A_405 = arith.constant 0 : i32
    %dma_wait3A_406 = tpu.memref_slice %arg3[%dma_wait3A_404, %dma_wait3A_405] : memref<100000x128xf32, #tpu.memory_space<hbm>> -> memref<100000x128xf32, #tpu.memory_space<hbm>>
    tpu.wait_indirect_dma semaphore(%arg8 : memref<!tpu.dma_semaphore, #tpu.memory_space<semaphore_mem>>) src(%dma_wait3A_406 : memref<100000x128xf32, #tpu.memory_space<hbm>>) dst(%dma_wait3A_400 : memref<128x128xf32, #tpu.memory_space<vmem>>)
    %add3A_407 = arith.constant 49 : i32
    %add3A_408 = arith.addi %mul3A_2, %add3A_407 : i32
    %mul3A_409 = arith.constant 128 : i32
    %mul3A_410 = arith.muli %add3A_408, %mul3A_409 : i32
    %dma_start3A_411 = arith.constant 1 : i32
    %dma_start3A_412 = arith.constant 0 : i32
    %dma_start3A_413 = arith.constant 0 : i32
    %dma_start3A_414 = tpu.memref_slice %arg6[%dma_start3A_411, %dma_start3A_412, %dma_start3A_413] : memref<6x128x128xf32, #tpu.memory_space<vmem>> -> memref<1x128x128xf32, #tpu.memory_space<vmem>>
    %dma_start3A_415 = tpu.memref_squeeze %dma_start3A_414 : memref<1x128x128xf32, #tpu.memory_space<vmem>> -> memref<128x128xf32, #tpu.memory_space<vmem>>
    %dma_start3A_416 = arith.constant 0 : i32
    %dma_start3A_417 = tpu.memref_slice %arg4[%mul3A_410, %dma_start3A_416] : memref<204800x128xf32, #tpu.memory_space<hbm>> -> memref<128x128xf32, #tpu.memory_space<hbm>>
    %dma_start3A_418 = arith.constant 0 : i32
    %dma_start3A_419 = tpu.memref_slice %arg4[%mul3A_410, %dma_start3A_418] : memref<204800x128xf32, #tpu.memory_space<hbm>> -> memref<128x128xf32, #tpu.memory_space<hbm>>
    %dma_start3A_420 = arith.constant 0 : i32
    %dma_start3A_421 = arith.constant 0 : i32
    %dma_start3A_422 = tpu.memref_slice %arg6[%dma_start3A_411, %dma_start3A_420, %dma_start3A_421] : memref<6x128x128xf32, #tpu.memory_space<vmem>> -> memref<1x128x128xf32, #tpu.memory_space<vmem>>
    %dma_start3A_423 = tpu.memref_squeeze %dma_start3A_422 : memref<1x128x128xf32, #tpu.memory_space<vmem>> -> memref<128x128xf32, #tpu.memory_space<vmem>>
    tpu.enqueue_dma source(%dma_start3A_423 : memref<128x128xf32, #tpu.memory_space<vmem>>) target(%dma_start3A_419 : memref<128x128xf32, #tpu.memory_space<hbm>>) target_semaphore(%arg14 : memref<!tpu.dma_semaphore, #tpu.memory_space<semaphore_mem>>)
    %dma_wait3A_424 = arith.constant 0 : i32
    %dma_wait3A_425 = arith.constant 0 : i32
    %dma_wait3A_426 = arith.constant 0 : i32
    %dma_wait3A_427 = tpu.memref_slice %arg6[%dma_wait3A_424, %dma_wait3A_425, %dma_wait3A_426] : memref<6x128x128xf32, #tpu.memory_space<vmem>> -> memref<1x128x128xf32, #tpu.memory_space<vmem>>
    %dma_wait3A_428 = tpu.memref_squeeze %dma_wait3A_427 : memref<1x128x128xf32, #tpu.memory_space<vmem>> -> memref<128x128xf32, #tpu.memory_space<vmem>>
    %dma_wait3A_429 = arith.constant 0 : i32
    %dma_wait3A_430 = arith.constant 0 : i32
    %dma_wait3A_431 = tpu.memref_slice %arg4[%dma_wait3A_429, %dma_wait3A_430] : memref<204800x128xf32, #tpu.memory_space<hbm>> -> memref<128x128xf32, #tpu.memory_space<hbm>>
    %dma_wait3A_432 = arith.constant 0 : i32
    %dma_wait3A_433 = arith.constant 0 : i32
    %dma_wait3A_434 = tpu.memref_slice %arg4[%dma_wait3A_432, %dma_wait3A_433] : memref<204800x128xf32, #tpu.memory_space<hbm>> -> memref<128x128xf32, #tpu.memory_space<hbm>>
    %dma_wait3A_435 = arith.constant 0 : i32
    %dma_wait3A_436 = arith.constant 0 : i32
    %dma_wait3A_437 = tpu.memref_slice %arg6[%dma_wait3A_424, %dma_wait3A_435, %dma_wait3A_436] : memref<6x128x128xf32, #tpu.memory_space<vmem>> -> memref<1x128x128xf32, #tpu.memory_space<vmem>>
    %dma_wait3A_438 = tpu.memref_squeeze %dma_wait3A_437 : memref<1x128x128xf32, #tpu.memory_space<vmem>> -> memref<128x128xf32, #tpu.memory_space<vmem>>
    tpu.wait_dma2 semaphore(%arg13 : memref<!tpu.dma_semaphore, #tpu.memory_space<semaphore_mem>>) src(%dma_wait3A_438 : memref<128x128xf32, #tpu.memory_space<vmem>>) dst(%dma_wait3A_434 : memref<128x128xf32, #tpu.memory_space<hbm>>)
    %dma_wait3A_439 = arith.constant 1 : i32
    %dma_wait3A_440 = arith.constant 0 : i32
    %dma_wait3A_441 = arith.constant 0 : i32
    %dma_wait3A_442 = tpu.memref_slice %arg6[%dma_wait3A_439, %dma_wait3A_440, %dma_wait3A_441] : memref<6x128x128xf32, #tpu.memory_space<vmem>> -> memref<1x128x128xf32, #tpu.memory_space<vmem>>
    %dma_wait3A_443 = tpu.memref_squeeze %dma_wait3A_442 : memref<1x128x128xf32, #tpu.memory_space<vmem>> -> memref<128x128xf32, #tpu.memory_space<vmem>>
    %dma_wait3A_444 = arith.constant 0 : i32
    %dma_wait3A_445 = arith.constant 0 : i32
    %dma_wait3A_446 = tpu.memref_slice %arg4[%dma_wait3A_444, %dma_wait3A_445] : memref<204800x128xf32, #tpu.memory_space<hbm>> -> memref<128x128xf32, #tpu.memory_space<hbm>>
    %dma_wait3A_447 = arith.constant 0 : i32
    %dma_wait3A_448 = arith.constant 0 : i32
    %dma_wait3A_449 = tpu.memref_slice %arg4[%dma_wait3A_447, %dma_wait3A_448] : memref<204800x128xf32, #tpu.memory_space<hbm>> -> memref<128x128xf32, #tpu.memory_space<hbm>>
    %dma_wait3A_450 = arith.constant 0 : i32
    %dma_wait3A_451 = arith.constant 0 : i32
    %dma_wait3A_452 = tpu.memref_slice %arg6[%dma_wait3A_439, %dma_wait3A_450, %dma_wait3A_451] : memref<6x128x128xf32, #tpu.memory_space<vmem>> -> memref<1x128x128xf32, #tpu.memory_space<vmem>>
    %dma_wait3A_453 = tpu.memref_squeeze %dma_wait3A_452 : memref<1x128x128xf32, #tpu.memory_space<vmem>> -> memref<128x128xf32, #tpu.memory_space<vmem>>
    tpu.wait_dma2 semaphore(%arg14 : memref<!tpu.dma_semaphore, #tpu.memory_space<semaphore_mem>>) src(%dma_wait3A_453 : memref<128x128xf32, #tpu.memory_space<vmem>>) dst(%dma_wait3A_449 : memref<128x128xf32, #tpu.memory_space<hbm>>)
    return
  }
}

</mosaic_0001>

<sc_bundles>
// kernel: kernel.3.cloned.1.call-start
scs
__scs_entry_jumppad:
0x0: {  	(pc) =	sbr.rel $0x88, $3  }
0x1: {  	(tag) =	ssettag $0x0;
	lr =	simm.s32 $0x1  }
0x2: {  	[smem:$0x3F9F] =	sst lr;
	_ =	strace $0xD0000000  }
0x3: {  	_ = 	snop  }
0x4: {  	_ = 	snop  }
0x5: {  	_ = 	snop  }
0x6: {  	_ = 	snop  }
0x7: {  	_ = 	snop  }
__scs_overlays_trampoline_lowered:
0x8: {  	[smem:$0x3FAE] =	sst s0  }
0x9: {  	[smem:$0x3FAF] =	sst s1  }
0xa: {  	[smem:$0x3FB0] =	sst s2  }
0xb: {  	[smem:$0x3FB1] =	sst s3  }
0xc: {  	[smem:$0x3FB2] =	sst s4  }
0xd: {  	[smem:$0x3FB3] =	sst s5  }
0xe: {  	[smem:$0x3FB4] =	sst s6  }
0xf: {  	[smem:$0x3FB5] =	sst s7  }
0x10: {  	[smem:$0x3FB6] =	sst s8  }
0x11: {  	[smem:$0x3FB7] =	sst s9;
	s0 =	simm.s32 @!p0 $0x0  }
0x12: {  	s1 =	sld [smem:$0x3F9D];
	s0 =	simm.s32 @p0 $0x1  }
0x13: {  	[smem:$0x3FB8] =	sst s0;
	s0 =	simm.s32 @!p1 $0x0  }
0x14: {  	s2 =	sld [smem:$0x3F9C];
	s0 =	simm.s32 @p1 $0x1  }
0x15: {  	[smem:$0x3FB9] =	sst s0;
	s0 =	simm.s32 @!p2 $0x0  }
0x16: {  	s3 =	sld [smem:$0x3FDB];
	s0 =	simm.s32 @p2 $0x1  }
0x17: {  	s4 =	simm.s32 $0x1BF5;
	[smem:$0x3FBB] =	sst s0  }
0x18: {  	s0 =	sld [smem:$0x3F9E];
	_ =	swait.ge [sflag:s4], $0x0  }
0x19: {  	s7 =	sld [smem:$0x3F9F]  }
0x1a: {  	s8 =	sadd.s32 $0xFFFFE003, lr  }
0x1b: {  	s9 =	sadd.s32 $0xFFFFFEF7, lr;
	s5 =	simm.s32 $0xFFFFFFFF;
	p2 =	slt.u32 s8, $0xFFFFF086  }
0x1c: {  	p1 =	slt.u32 s9, $0xF7A;
	s5 =	simm.s32 @!p2 $0x0  }
0x1d: {  	s5 =	simm.s32 @p1 $0x1;
	p0 =	seq.s32 s7, s2  }
0x1e: {  	s7 =	smul.u32 @!p0 $0xF7A, s2;
	p2 =	seq.s32 @!p0 s5, $0x0  }
0x1f: {  	s9 =	smul.u32 $0xF7A, s1;
	s8 =	simm.s32 @!p0 $0x1BF5;
	p2 =	por !p2, p0  }
0x20: {  	[sflag:s8] =	ssyncset.s32 @!p0 $0xFFFFF086;
	s6 =	sadd.s32 @!p0 s3, s7;
	s7 =	simm.s32 @!p0 $0x108  }
0x21: {  	s3 =	sadd.s32 s3, s9;
	s6 =	sadd.s32 @!p0 $0x88, s6;
	s7 =	simm.s32 @p2 $0x1082  }
0x22: {  	[simem:s7], [sflag:s8] =	dma.local @!p0 [hbm:s6], $0xF7A  }
0x23: {  	s9 =	sor.u32 $0xD0000000, s2;
	s6 =	simm.s32 $0x108;
	_ =	swait.ge @!p0 [sflag:s8], $0x0  }
0x24: {  	s3 =	sadd.s32 $0x88, s3;
	s6 =	simm.s32 @!p1 $0x1082;
	[sflag:s4] =	ssyncset.s32 $0xFFFFF086  }
0x25: {  	[simem:s6], [sflag:s4] =	dma.local [hbm:s3], $0xF7A  }
0x26: {  	[smem:$0x3F9F] =	sst s1;
	(tag) =	ssettag s2;
	_ =	strace s9  }
0x27: {  	s1 =	sld [smem:$0x3FAF]  }
0x28: {  	s2 =	sld [smem:$0x3FB0]  }
0x29: {  	s4 =	sld [smem:$0x3FB2]  }
0x2a: {  	p0 =	seq.s32 s5, $0x0;
	s5 =	sld [smem:$0x3FB3]  }
0x2b: {  	s6 =	sld [smem:$0x3FB4]  }
0x2c: {  	s7 =	sld [smem:$0x3FB5]  }
0x2d: {  	s3 =	simm.s32 $0x108;
	s8 =	sld [smem:$0x3FB6]  }
0x2e: {  	s3 =	simm.s32 @!p0 $0x1082;
	s9 =	sld [smem:$0x3FB7]  }
0x2f: {  	lr =	sadd.s32 s0, s3;
	s0 =	sld [smem:$0x3FAE]  }
0x30: {  	s3 =	sld [smem:$0x3FB1]  }
0x31: {  	[smem:$0x3FBA] =	sst s10  }
0x32: {  	s10 =	sld [smem:$0x3FB8];
	_ =	sdelay $0x3  }
0x33: {  	p0 =	seq.s32 s10, $0x1;
	s10 =	sld [smem:$0x3FBA];
	_ =	sdelay $0x3  }
0x34: {  	[smem:$0x3FBA] =	sst s10  }
0x35: {  	s10 =	sld [smem:$0x3FB9];
	_ =	sdelay $0x3  }
0x36: {  	p1 =	seq.s32 s10, $0x1;
	s10 =	sld [smem:$0x3FBA];
	_ =	sdelay $0x3  }
0x37: {  	[smem:$0x3FBA] =	sst s10  }
0x38: {  	s10 =	sld [smem:$0x3FBB]  }
0x39: {  	_ = 	snop;
	(pc) =	sbr.ind lr, $3  }
0x3a: {  	_ = 	snop  }
0x3b: {  	_ = 	snop  }
0x3c: {  	p2 =	seq.s32 s10, $0x1;
	s10 =	sld [smem:$0x3FBA]  }
0x3d: {  	_ =	shalt  }
0x3e: {  	_ =	shalt  }
0x3f: {  	_ =	shalt  }
0x40: {  	_ =	shalt  }
0x41: {  	_ =	shalt  }
0x42: {  	_ =	shalt  }
0x43: {  	_ =	shalt  }
0x44: {  	_ =	shalt  }
0x45: {  	_ =	shalt  }
0x46: {  	_ =	shalt  }
0x47: {  	_ =	shalt  }
0x48: {  	_ =	shalt  }
0x49: {  	_ =	shalt  }
0x4a: {  	_ =	shalt  }
0x4b: {  	_ =	shalt  }
0x4c: {  	_ =	shalt  }
0x4d: {  	_ =	shalt  }
0x4e: {  	_ =	shalt  }
0x4f: {  	_ =	shalt  }
0x50: {  	_ =	shalt  }
0x51: {  	_ =	shalt  }
0x52: {  	_ =	shalt  }
0x53: {  	_ =	shalt  }
0x54: {  	_ =	shalt  }
0x55: {  	_ =	shalt  }
0x56: {  	_ =	shalt  }
0x57: {  	_ =	shalt  }
0x58: {  	_ =	shalt  }
0x59: {  	_ =	shalt  }
0x5a: {  	_ =	shalt  }
0x5b: {  	_ =	shalt  }
0x5c: {  	_ =	shalt  }
0x5d: {  	_ =	shalt  }
0x5e: {  	_ =	shalt  }
0x5f: {  	_ =	shalt  }
0x60: {  	_ =	shalt  }
0x61: {  	_ =	shalt  }
0x62: {  	_ =	shalt  }
0x63: {  	_ =	shalt  }
0x64: {  	_ =	shalt  }
0x65: {  	_ =	shalt  }
0x66: {  	_ =	shalt  }
0x67: {  	_ =	shalt  }
0x68: {  	_ =	shalt  }
0x69: {  	_ =	shalt  }
0x6a: {  	_ =	shalt  }
0x6b: {  	_ =	shalt  }
0x6c: {  	_ =	shalt  }
0x6d: {  	_ =	shalt  }
0x6e: {  	_ =	shalt  }
0x6f: {  	_ =	shalt  }
0x70: {  	_ =	shalt  }
0x71: {  	_ =	shalt  }
0x72: {  	_ =	shalt  }
0x73: {  	_ =	shalt  }
0x74: {  	_ =	shalt  }
0x75: {  	_ =	shalt  }
0x76: {  	_ =	shalt  }
0x77: {  	_ =	shalt  }
0x78: {  	_ =	shalt  }
0x79: {  	_ =	shalt  }
0x7a: {  	_ =	shalt  }
0x7b: {  	_ =	shalt  }
0x7c: {  	_ =	shalt  }
0x7d: {  	_ =	shalt  }
0x7e: {  	_ =	shalt  }
0x7f: {  	_ =	shalt  }
0x80: {  	_ =	shalt  }
0x81: {  	_ =	shalt  }
0x82: {  	_ =	shalt  }
0x83: {  	_ =	shalt  }
0x84: {  	_ =	shalt  }
0x85: {  	_ =	shalt  }
0x86: {  	_ =	shalt  }
0x87: {  	_ =	shalt  }
.Lfunc_end0:
.L_simem_size_0:
called_computation_lowered:
.L_overlay_start_0:
0x88: {  	s2 =	sld [smem:$0x3FD9]  }
0x89: {  	s3 =	sld [smem:$0x3FFE];
	_ =	sdelay $0x1  }
0x8a: {  	s1 =	srdreg.scid  }
0x8b: {  	s0 =	sand.u32 $0x1, s1  }
0x8c: {  	s17 =	sshll.u32 s0, $0xA;
	s2 =	sadd.s32 s3, s2  }
0x8d: {  	s2 =	sadd.s32 s2, s17  }
0x8e: {  	[smem:$0x3FC6] =	sst s2  }
0x8f: {  	_ = 	snop  }
0x90: {  	s2 =	sld [smem:$0x3FC8]  }
0x91: {  	s18 =	sld [smem:$0x3FD0];
	(tm) =	ssettm $0x1  }
0x92: {  	s4 =	sld [smem:$0x3FFB];
	_ =	sdelay $0x3  }
0x93: {  	_ =	strace s4  }
0x94: {  	s4 =	sld [smem:$0x3FFC];
	_ =	sdelay $0x3  }
0x95: {  	_ =	strace s4  }
0x96: {  	s4 =	sld [smem:$0x3FFD];
	_ =	sdelay $0x3  }
0x97: {  	_ =	strace s4  }
0x98: {  	_ =	strace $0x8FFFFFFF  }
0x99: {  	s19 =	sld [smem:$0x3FDB];
	_ =	sdelay $0x1  }
0x9a: {  	s5 =	simm.s32 $_scs_section_size  }
0x9b: {  	s6 =	simm.s32 $_size__tile_overlayer_lowered;
	s7 =	simm.s32 $_tile_overlayer_lowered  }
0x9c: {  	s22 =	simm.s32 $0x1BFF;
	s21 =	sshll.u32 s7, $0x1;
	s4 =	sadd.s32 s5, s19  }
0x9d: {  	s8 =	simm.s32 $0x0;
	s20 =	sshll.u32 s6, $0x1;
	s6 =	sadd.s32 s21, s4  }
0x9e: {  	[timem:s8], [sflag:s22] =	dma.local [hbm:s6], s20  }
0x9f: {  	_ =	swait.ge [sflag:s22], s20  }
0xa0: {  	s5 =	ssub.s32 $0x0, s20;
	[sflag:s22] =	ssyncset.done $0x0  }
0xa1: {  	[sflag:s22] =	ssyncadd.s32 s5;
	_ =	sdelay $0x1  }
0xa2: {  	s23 =	simm.s32 $0x1B8B  }
0xa3: {  	_ =	swait.ge [sflag:s23], $0x1  }
0xa4: {  	[sflag:s23] =	ssyncset.done $0x0  }
0xa5: {  	s25 =	simm.s32 $0x1B8E;
	s24 =	sld [smem:$0x3FFE];
	[sflag:s23] =	ssyncadd.s32 $0xFFFFFFFF  }
0xa6: {  	s26 =	simm.s32 $execute0_lowered;
	[smem:$0x3FD2] =	sst s25  }
0xa7: {  	s6 =	sshll.u32 s26, $0x1;
	_ =	strace $0x80000046;
	[dreg:$0x1] =	wrdreg $0xFFFFFFFF  }
0xa8: {  	s28 =	simm.s32 $_size_execute0_lowered;
	s4 =	sadd.s32 s4, s6;
	[dreg:$0x0] =	wrdreg $0x0  }
0xa9: {  	s6 =	sshll.u32 s28, $0x1;
	[dreg:$0x2] =	wrdreg s4  }
0xaa: {  	[dreg:$0x3] =	wrdreg s6  }
0xab: {  	[dreg:$0x4] =	wrdreg $0xC0  }
0xac: {  	_ =	task [dreg:s8], $0x5FFFF  }
0xad: {  	[dreg:$0x1] =	wrdreg $0xFFFFFFFF  }
0xae: {  	[dreg:$0x0] =	wrdreg $0x60  }
0xaf: {  	[dreg:$0x2] =	wrdreg s24  }
0xb0: {  	[dreg:$0x3] =	wrdreg s2  }
0xb1: {  	[dreg:$0x4] =	wrdreg s18  }
0xb2: {  	[dreg:$0x5] =	wrdreg $0x9  }
0xb3: {  	_ =	task.clear_ibuf [dreg:s8], $0x6FFFF;
	_ =	strace $0x90000046  }
0xb4: {  	s29 =	simm.s32 $0x9;
	_ =	strace $0x80000048  }
0xb5: {  	_ =	swait.ge [sflag:s29], $0x1  }
0xb6: {  	[sflag:s29] =	ssyncadd.s32 $0xFFFFFFFF  }
0xb7: {  	_ =	strace $0x90000048  }
0xb8: {  	_ =	sfence  }
0xb9: {  	s30 =	sld [smem:$0x0];
	_ =	sdelay $0x2  }
0xba: {  	s31 =	sshll.u32 s1, $0xD;
	s1 =	sshrl.u32 s1, $0x2  }
0xbb: {  	s3 =	sand.u32 $0x4000, s31;
	s1 =	sadd.s32 s1, s30  }
0xbc: {  	s0 =	sor.u32 s3, s0;
	s1 =	sshll.u32 s1, $0x11  }
0xbd: {  	s0 =	sor.u32 s1, s0  }
0xbe: {  	s0 =	sadd.s32 $0x8F2B, s0  }
0xbf: {  	[sflag:s0] =	ssyncadd.remote.s32 $0x1  }
0xc0: {  	_ =	sfence.sel $0xFFFF  }
0xc1: {  	[dreg:$0x0] =	wrdreg $0xFFFFFFFF;
	(pc) =	sbr.abs _section_cstart, $3  }
0xc2: {  	[dreg:$0x1] =	wrdreg $0xFFFFFFFF  }
0xc3: {  	_ =	task.clear_ibuf [dreg:s8], $0x2FFFF;
	_ =	strace $0x9FFFFFFF  }
0xc4: {  	(tm) =	ssettm $0x7FFFFFFF  }
0xc5: {  	_ =	shalt  }
tec
execute0_lowered:
.L_overlay_start_1:
0x0: {  	(tag) =	ssettag $0x1  }
0x1: {  	s0 =	srdreg.scid;
	s1 =	rddreg [dreg:$0x0]  }
0x2: {  	s9 =	stileid.u32;
	s2 =	rddreg [dreg:$0x1];
	s4 =	simm.s32 $0x0  }
0x3: {  	s15 =	simm.s32 $0xD;
	s28 =	simm.s32 $0x15C00;
	s29 =	simm.s32 $0x2  }
0x4: {  	s0 =	sand.u32 $0x1, s0;
	s3 =	sshll.u32 s9, $0x1;
	s9 =	smul.u32 $0x64, s9  }
0x5: {  	s5 =	sor.u32 s0, s3;
	s8 =	ssub.s32 $0x2, s0;
	s0 =	smul.u32 $0x32, s0  }
0x6: {  	s30 =	simm.s32 $0x7;
	[smem:$0x7FF] =	sst s4;
	s6 =	smul.u32 $0x380, s5  }
0x7: {  	s31 =	simm.s32 $0x3;
	s3 =	rddreg [dreg:$0x2];
	s7 =	smul.u32 $0xC8000, s5  }
0x8: {  	_ =	strace $0x80000047;
	s10 =	sshrl.u32 s8, $0x1;
	s5 =	smul.u32 $0x19000, s5  }
0x9: {  	s16 =	ssub.s32 s8, s10;
	s0 =	sadd.s32 s0, s9;
	s1 =	sadd.s32 s6, s1  }
0xa: {  	s7 =	sshrl.u32 s7, $0x3;
	s0 =	sshll.u32 s0, $0xB;
	s5 =	sadd.s32 s3, s5  }
0xb: {  	s14 =	smax.u32 s16, $0x1;
	s16 =	simm.s32 $0x80;
	s6 =	simm.s32 $0xC  }
0xc: {  	s1 =	sadd.s32 $0x400, s1;
	s17 =	sadd.s32 s3, s7;
	[dreg:$0xb] =	wrdreg s5  }
0xd: {  	s19 =	sadd.s32 $0x2800, s0;
	s20 =	sadd.s32 $0x2000, s0;
	[dreg:$0xa] =	wrdreg s1  }
0xe: {  	s22 =	sadd.s32 $0x1800, s0;
	s24 =	sadd.s32 $0x1000, s0;
	[dreg:$0x4] =	wrdreg s19  }
0xf: {  	s26 =	sor.u32 $0x800, s0;
	s0 =	sadd.s32 $0x3000, s0;
	[dreg:$0x5] =	wrdreg s20  }
0x10: {  	s5 =	simm.s32 $0xB;
	s18 =	sadd.s32 $0x15800, s17;
	[dreg:$0x6] =	wrdreg s22  }
0x11: {  	s7 =	sadd.s32 $0x16000, s17;
	s21 =	sadd.s32 $0x16800, s17;
	[dreg:$0x7] =	wrdreg s24  }
0x12: {  	s23 =	sadd.s32 $0x17000, s17;
	s25 =	sadd.s32 $0x17800, s17;
	[dreg:$0x8] =	wrdreg s26  }
0x13: {  	s12 =	sadd.s32 $0x18000, s17;
	s13 =	sadd.s32 $0x18800, s17;
	[dreg:$0x9] =	wrdreg s0  }
0x14: {  	s17 =	simm.s32 $0x1C00;
	s20 =	simm.s32 $0x9C00;
	[dreg:$0xc] =	wrdreg s18  }
0x15: {  	s22 =	simm.s32 $0xDC00;
	s24 =	simm.s32 $0x11C00;
	[dreg:$0xd] =	wrdreg s7  }
0x16: {  	s1 =	simm.s32 $0x8;
	s0 =	simm.s32 $0x4;
	[dreg:$0xe] =	wrdreg s21  }
0x17: {  	s19 =	simm.s32 $0x9;
	s26 =	simm.s32 $0x6;
	[dreg:$0xf] =	wrdreg s23  }
0x18: {  	[dreg:$0x10] =	wrdreg s25;
	s18 =	simm.s32 $0x5C00;
	s25 =	simm.s32 $0x1  }
0x19: {  	s21 =	simm.s32 $0x5;
	s23 =	simm.s32 $0xA;
	s7 =	simm.s32 $0x0  }
.LBB2_1:
0x1a: {  	s8 =	rddreg [dreg:$0xa]  }
0x1b: {  	[tilespmem:s4], [sflag:$0xD] =	stream.linear.gather [hbm4b:s8+s4], $0x1900, $0x38;
	[tilespmem:$0x19C00] =	vst v63  }
0x1c: {  	_ =	swait.ge [sflag:s15], $0x1900  }
0x1d: {  	[sflag:s15] =	ssyncset.done $0x0  }
0x1e: {  	[sflag:s15] =	ssyncadd.s32 $0xFFFFE700  }
0x1f: {  	[tilespmem:s17], [sflag:$0x1] =	stream.indirect.gather [hbm4b:s2+s16], $0x80, s4, s16, $0xb8;
	[tilespmem:$0x19C00] =	vst v63  }
0x20: {  	_ = 	snop  }
0x21: {  	[tilespmem:s18], [sflag:$0x2] =	stream.indirect.gather [hbm4b:s2+s16], $0x80, s16, s16, $0xb8;
	[tilespmem:$0x19C00] =	vst v63  }
0x22: {  	s11 =	simm.s32 $0x100  }
0x23: {  	[tilespmem:s20], [sflag:$0x3] =	stream.indirect.gather [hbm4b:s2+s16], $0x80, s11, s16, $0xb8;
	[tilespmem:$0x19C00] =	vst v63  }
0x24: {  	s9 =	simm.s32 $0x180  }
0x25: {  	[tilespmem:s22], [sflag:$0x4] =	stream.indirect.gather [hbm4b:s2+s16], $0x80, s9, s16, $0xb8;
	[tilespmem:$0x19C00] =	vst v63  }
0x26: {  	s10 =	simm.s32 $0x200  }
0x27: {  	[tilespmem:s24], [sflag:$0x5] =	stream.indirect.gather [hbm4b:s2+s16], $0x80, s10, s16, $0xb8;
	[tilespmem:$0x19C00] =	vst v63  }
0x28: {  	_ =	swait.ge [sflag:s25], $0x4000  }
0x29: {  	[sflag:s25] =	ssyncset.done $0x0  }
0x2a: {  	s11 =	rddreg [dreg:$0xb];
	[sflag:s25] =	ssyncadd.s32 $0xFFFFC000  }
0x2b: {  	[hbm4b:s11+s4] =	stream.linear.scatter [tilespmem:s17], [sflag:$0x7], $0x4000, $0x38;
	[tilespmem:$0x19C00] =	vst v63  }
0x2c: {  	s9 =	simm.s32 $0x280  }
0x2d: {  	[tilespmem:s28], [sflag:$0x6] =	stream.indirect.gather [hbm4b:s2+s16], $0x80, s9, s16, $0xb8;
	[tilespmem:$0x19C00] =	vst v63  }
0x2e: {  	_ =	swait.ge [sflag:s29], $0x4000  }
0x2f: {  	s10 =	rddreg [dreg:$0x8];
	[sflag:s29] =	ssyncset.done $0x0  }
0x30: {  	[sflag:s29] =	ssyncadd.s32 $0xFFFFC000;
	s8 =	sadd.s32 s3, s10  }
0x31: {  	[hbm4b:s8+s4] =	stream.linear.scatter [tilespmem:s18], [sflag:$0x8], $0x4000, $0x38;
	[tilespmem:$0x19C00] =	vst v63  }
0x32: {  	_ =	swait.ge [sflag:s30], $0x4000  }
0x33: {  	[sflag:s30] =	ssyncset.done $0x0  }
0x34: {  	s11 =	simm.s32 $0x300;
	[sflag:s30] =	ssyncadd.s32 $0xFFFFC000  }
0x35: {  	[tilespmem:s17], [sflag:$0x1] =	stream.indirect.gather [hbm4b:s2+s16], $0x80, s11, s16, $0xb8;
	[tilespmem:$0x19C00] =	vst v63  }
0x36: {  	_ =	swait.ge [sflag:s31], $0x4000  }
0x37: {  	s9 =	rddreg [dreg:$0x7];
	[sflag:s31] =	ssyncset.done $0x0  }
0x38: {  	[sflag:s31] =	ssyncadd.s32 $0xFFFFC000;
	s8 =	sadd.s32 s3, s9  }
0x39: {  	[hbm4b:s8+s4] =	stream.linear.scatter [tilespmem:s20], [sflag:$0x9], $0x4000, $0x38;
	[tilespmem:$0x19C00] =	vst v63  }
0x3a: {  	_ =	swait.ge [sflag:s1], $0x4000  }
0x3b: {  	[sflag:s1] =	ssyncset.done $0x0  }
0x3c: {  	s10 =	simm.s32 $0x380;
	[sflag:s1] =	ssyncadd.s32 $0xFFFFC000  }
0x3d: {  	[tilespmem:s18], [sflag:$0x2] =	stream.indirect.gather [hbm4b:s2+s16], $0x80, s10, s16, $0xb8;
	[tilespmem:$0x19C00] =	vst v63  }
0x3e: {  	_ =	swait.ge [sflag:s0], $0x4000  }
0x3f: {  	s11 =	rddreg [dreg:$0x6];
	[sflag:s0] =	ssyncset.done $0x0  }
0x40: {  	[sflag:s0] =	ssyncadd.s32 $0xFFFFC000;
	s8 =	sadd.s32 s3, s11  }
0x41: {  	[hbm4b:s8+s4] =	stream.linear.scatter [tilespmem:s22], [sflag:$0xA], $0x4000, $0x38;
	[tilespmem:$0x19C00] =	vst v63  }
0x42: {  	_ =	swait.ge [sflag:s19], $0x4000  }
0x43: {  	[sflag:s19] =	ssyncset.done $0x0  }
0x44: {  	s9 =	simm.s32 $0x400;
	[sflag:s19] =	ssyncadd.s32 $0xFFFFC000  }
0x45: {  	[tilespmem:s20], [sflag:$0x3] =	stream.indirect.gather [hbm4b:s2+s16], $0x80, s9, s16, $0xb8;
	[tilespmem:$0x19C00] =	vst v63  }
0x46: {  	_ =	swait.ge [sflag:s21], $0x4000  }
0x47: {  	s10 =	rddreg [dreg:$0x5];
	[sflag:s21] =	ssyncset.done $0x0  }
0x48: {  	[sflag:s21] =	ssyncadd.s32 $0xFFFFC000;
	s8 =	sadd.s32 s3, s10  }
0x49: {  	[hbm4b:s8+s4] =	stream.linear.scatter [tilespmem:s24], [sflag:$0xB], $0x4000, $0x38;
	[tilespmem:$0x19C00] =	vst v63  }
0x4a: {  	_ =	swait.ge [sflag:s23], $0x4000  }
0x4b: {  	[sflag:s23] =	ssyncset.done $0x0  }
0x4c: {  	s11 =	simm.s32 $0x480;
	[sflag:s23] =	ssyncadd.s32 $0xFFFFC000  }
0x4d: {  	[tilespmem:s22], [sflag:$0x4] =	stream.indirect.gather [hbm4b:s2+s16], $0x80, s11, s16, $0xb8;
	[tilespmem:$0x19C00] =	vst v63  }
0x4e: {  	_ =	swait.ge [sflag:s26], $0x4000  }
0x4f: {  	s9 =	rddreg [dreg:$0x4];
	[sflag:s26] =	ssyncset.done $0x0  }
0x50: {  	[sflag:s26] =	ssyncadd.s32 $0xFFFFC000;
	s8 =	sadd.s32 s3, s9  }
0x51: {  	[hbm4b:s8+s4] =	stream.linear.scatter [tilespmem:s28], [sflag:$0xC], $0x4000, $0x38;
	[tilespmem:$0x19C00] =	vst v63  }
0x52: {  	_ =	swait.ge [sflag:s5], $0x4000  }
0x53: {  	[sflag:s5] =	ssyncset.done $0x0  }
0x54: {  	s10 =	simm.s32 $0x500;
	[sflag:s5] =	ssyncadd.s32 $0xFFFFC000  }
0x55: {  	[tilespmem:s24], [sflag:$0x5] =	stream.indirect.gather [hbm4b:s2+s16], $0x80, s10, s16, $0xb8;
	[tilespmem:$0x19C00] =	vst v63  }
0x56: {  	_ =	swait.ge [sflag:s25], $0x4000  }
0x57: {  	s11 =	rddreg [dreg:$0x9];
	[sflag:s25] =	ssyncset.done $0x0  }
0x58: {  	[sflag:s25] =	ssyncadd.s32 $0xFFFFC000;
	s8 =	sadd.s32 s3, s11  }
0x59: {  	[hbm4b:s8+s4] =	stream.linear.scatter [tilespmem:s17], [sflag:$0x7], $0x4000, $0x38;
	[tilespmem:$0x19C00] =	vst v63  }
0x5a: {  	_ =	swait.ge [sflag:s6], $0x4000  }
0x5b: {  	s9 =	sadd.s32 $0x3000, s3;
	[sflag:s6] =	ssyncset.done $0x0  }
0x5c: {  	s10 =	simm.s32 $0x580;
	s8 =	simm.s32 $0xC00;
	[sflag:s6] =	ssyncadd.s32 $0xFFFFC000  }
.LBB2_2:
0x5d: {  	[tilespmem:s28], [sflag:$0x6] =	stream.indirect.gather [hbm4b:s2+s16], $0x80, s10, s16, $0xb8;
	[tilespmem:$0x19C00] =	vst v63  }
0x5e: {  	_ =	swait.ge [sflag:s29], $0x4000  }
0x5f: {  	s11 =	rddreg [dreg:$0x8];
	[sflag:s29] =	ssyncset.done $0x0  }
0x60: {  	[sflag:s29] =	ssyncadd.s32 $0xFFFFC000;
	s11 =	sadd.s32 s9, s11  }
0x61: {  	[hbm4b:s11+s4] =	stream.linear.scatter [tilespmem:s18], [sflag:$0x8], $0x4000, $0x38;
	[tilespmem:$0x19C00] =	vst v63  }
0x62: {  	s10 =	smov.u32 s8;
	_ =	swait.ge [sflag:s30], $0x4000  }
0x63: {  	s10 =	sshra.s32 s10, $0x2;
	[sflag:s30] =	ssyncset.done $0x0  }
0x64: {  	s11 =	sadd.s32 $0x300, s10;
	[sflag:s30] =	ssyncadd.s32 $0xFFFFC000  }
0x65: {  	[tilespmem:s17], [sflag:$0x1] =	stream.indirect.gather [hbm4b:s2+s16], $0x80, s11, s16, $0xb8;
	[tilespmem:$0x19C00] =	vst v63  }
0x66: {  	_ =	swait.ge [sflag:s31], $0x4000  }
0x67: {  	s11 =	rddreg [dreg:$0x7];
	[sflag:s31] =	ssyncset.done $0x0  }
0x68: {  	[sflag:s31] =	ssyncadd.s32 $0xFFFFC000;
	s11 =	sadd.s32 s9, s11  }
0x69: {  	[hbm4b:s11+s4] =	stream.linear.scatter [tilespmem:s20], [sflag:$0x9], $0x4000, $0x38;
	[tilespmem:$0x19C00] =	vst v63  }
0x6a: {  	_ =	swait.ge [sflag:s1], $0x4000  }
0x6b: {  	[sflag:s1] =	ssyncset.done $0x0  }
0x6c: {  	s11 =	sadd.s32 $0x380, s10;
	[sflag:s1] =	ssyncadd.s32 $0xFFFFC000  }
0x6d: {  	[tilespmem:s18], [sflag:$0x2] =	stream.indirect.gather [hbm4b:s2+s16], $0x80, s11, s16, $0xb8;
	[tilespmem:$0x19C00] =	vst v63  }
0x6e: {  	_ =	swait.ge [sflag:s0], $0x4000  }
0x6f: {  	s11 =	rddreg [dreg:$0x6];
	[sflag:s0] =	ssyncset.done $0x0  }
0x70: {  	[sflag:s0] =	ssyncadd.s32 $0xFFFFC000;
	s11 =	sadd.s32 s9, s11  }
0x71: {  	[hbm4b:s11+s4] =	stream.linear.scatter [tilespmem:s22], [sflag:$0xA], $0x4000, $0x38;
	[tilespmem:$0x19C00] =	vst v63  }
0x72: {  	_ =	swait.ge [sflag:s19], $0x4000  }
0x73: {  	[sflag:s19] =	ssyncset.done $0x0  }
0x74: {  	s11 =	sadd.s32 $0x400, s10;
	[sflag:s19] =	ssyncadd.s32 $0xFFFFC000  }
0x75: {  	[tilespmem:s20], [sflag:$0x3] =	stream.indirect.gather [hbm4b:s2+s16], $0x80, s11, s16, $0xb8;
	[tilespmem:$0x19C00] =	vst v63  }
0x76: {  	_ =	swait.ge [sflag:s21], $0x4000  }
0x77: {  	s11 =	rddreg [dreg:$0x5];
	[sflag:s21] =	ssyncset.done $0x0  }
0x78: {  	[sflag:s21] =	ssyncadd.s32 $0xFFFFC000;
	s11 =	sadd.s32 s9, s11  }
0x79: {  	[hbm4b:s11+s4] =	stream.linear.scatter [tilespmem:s24], [sflag:$0xB], $0x4000, $0x38;
	[tilespmem:$0x19C00] =	vst v63  }
0x7a: {  	_ =	swait.ge [sflag:s23], $0x4000  }
0x7b: {  	[sflag:s23] =	ssyncset.done $0x0  }
0x7c: {  	s11 =	sadd.s32 $0x480, s10;
	[sflag:s23] =	ssyncadd.s32 $0xFFFFC000  }
0x7d: {  	[tilespmem:s22], [sflag:$0x4] =	stream.indirect.gather [hbm4b:s2+s16], $0x80, s11, s16, $0xb8;
	[tilespmem:$0x19C00] =	vst v63  }
0x7e: {  	_ =	swait.ge [sflag:s26], $0x4000  }
0x7f: {  	s11 =	rddreg [dreg:$0x4];
	[sflag:s26] =	ssyncset.done $0x0  }
0x80: {  	[sflag:s26] =	ssyncadd.s32 $0xFFFFC000;
	s11 =	sadd.s32 s9, s11  }
0x81: {  	[hbm4b:s11+s4] =	stream.linear.scatter [tilespmem:s28], [sflag:$0xC], $0x4000, $0x38;
	[tilespmem:$0x19C00] =	vst v63  }
0x82: {  	_ =	swait.ge [sflag:s5], $0x4000  }
0x83: {  	[sflag:s5] =	ssyncset.done $0x0  }
0x84: {  	s11 =	sadd.s32 $0x500, s10;
	[sflag:s5] =	ssyncadd.s32 $0xFFFFC000  }
0x85: {  	[tilespmem:s24], [sflag:$0x5] =	stream.indirect.gather [hbm4b:s2+s16], $0x80, s11, s16, $0xb8;
	[tilespmem:$0x19C00] =	vst v63  }
0x86: {  	_ =	swait.ge [sflag:s25], $0x4000  }
0x87: {  	p0 =	sne.s32 s8, $0x4800;
	s11 =	rddreg [dreg:$0x9];
	[sflag:s25] =	ssyncset.done $0x0  }
.Ltmp0:
0x88: {  	[sflag:s25] =	ssyncadd.s32 $0xFFFFC000;
	s11 =	sadd.s32 s9, s11;
	(pc) =	sbr.rel @p0 .LBB2_2-.Ltmp0, $4  }
0x89: {  	[hbm4b:s11+s4] =	stream.linear.scatter [tilespmem:s17], [sflag:$0x7], $0x4000, $0x38;
	[tilespmem:$0x19C00] =	vst v63  }
0x8a: {  	_ =	swait.ge [sflag:s6], $0x4000  }
0x8b: {  	s8 =	sadd.s32 $0xC00, s8;
	[sflag:s6] =	ssyncset.done $0x0  }
0x8c: {  	s10 =	sadd.s32 $0x580, s10;
	s9 =	sadd.s32 $0x3000, s9;
	[sflag:s6] =	ssyncadd.s32 $0xFFFFC000  }
0x8d: {  	[tilespmem:s28], [sflag:$0x6] =	stream.indirect.gather [hbm4b:s2+s16], $0x80, s10, s16, $0xb8;
	[tilespmem:$0x19C00] =	vst v63  }
0x8e: {  	_ =	swait.ge [sflag:s29], $0x4000  }
0x8f: {  	[sflag:s29] =	ssyncset.done $0x0  }
0x90: {  	s8 =	rddreg [dreg:$0xc];
	[sflag:s29] =	ssyncadd.s32 $0xFFFFC000  }
0x91: {  	[hbm4b:s8+s4] =	stream.linear.scatter [tilespmem:s18], [sflag:$0x8], $0x4000, $0x38;
	[tilespmem:$0x19C00] =	vst v63  }
0x92: {  	_ =	swait.ge [sflag:s30], $0x4000  }
0x93: {  	[sflag:s30] =	ssyncset.done $0x0  }
0x94: {  	s9 =	simm.s32 $0x1800;
	[sflag:s30] =	ssyncadd.s32 $0xFFFFC000  }
0x95: {  	[tilespmem:s17], [sflag:$0x1] =	stream.indirect.gather [hbm4b:s2+s16], $0x80, s9, s16, $0xb8;
	[tilespmem:$0x19C00] =	vst v63  }
0x96: {  	_ =	swait.ge [sflag:s31], $0x4000  }
0x97: {  	[sflag:s31] =	ssyncset.done $0x0  }
0x98: {  	s10 =	rddreg [dreg:$0xd];
	[sflag:s31] =	ssyncadd.s32 $0xFFFFC000  }
0x99: {  	[hbm4b:s10+s4] =	stream.linear.scatter [tilespmem:s20], [sflag:$0x9], $0x4000, $0x38;
	[tilespmem:$0x19C00] =	vst v63  }
0x9a: {  	_ =	swait.ge [sflag:s1], $0x4000  }
0x9b: {  	[sflag:s1] =	ssyncset.done $0x0  }
0x9c: {  	s11 =	simm.s32 $0x1880;
	[sflag:s1] =	ssyncadd.s32 $0xFFFFC000  }
0x9d: {  	[tilespmem:s18], [sflag:$0x2] =	stream.indirect.gather [hbm4b:s2+s16], $0x80, s11, s16, $0xb8;
	[tilespmem:$0x19C00] =	vst v63  }
0x9e: {  	_ =	swait.ge [sflag:s0], $0x4000  }
0x9f: {  	[sflag:s0] =	ssyncset.done $0x0  }
0xa0: {  	s9 =	rddreg [dreg:$0xe];
	[sflag:s0] =	ssyncadd.s32 $0xFFFFC000  }
0xa1: {  	[hbm4b:s9+s4] =	stream.linear.scatter [tilespmem:s22], [sflag:$0xA], $0x4000, $0x38;
	[tilespmem:$0x19C00] =	vst v63  }
0xa2: {  	_ =	swait.ge [sflag:s19], $0x4000  }
0xa3: {  	[sflag:s19] =	ssyncset.done $0x0  }
0xa4: {  	[sflag:s19] =	ssyncadd.s32 $0xFFFFC000  }
0xa5: {  	_ =	swait.ge [sflag:s21], $0x4000  }
0xa6: {  	[sflag:s21] =	ssyncset.done $0x0  }
0xa7: {  	s10 =	rddreg [dreg:$0xf];
	[sflag:s21] =	ssyncadd.s32 $0xFFFFC000  }
0xa8: {  	[hbm4b:s10+s4] =	stream.linear.scatter [tilespmem:s24], [sflag:$0xB], $0x4000, $0x38;
	[tilespmem:$0x19C00] =	vst v63  }
0xa9: {  	_ =	swait.ge [sflag:s23], $0x4000  }
0xaa: {  	[sflag:s23] =	ssyncset.done $0x0  }
0xab: {  	[sflag:s23] =	ssyncadd.s32 $0xFFFFC000  }
0xac: {  	_ =	swait.ge [sflag:s26], $0x4000  }
0xad: {  	[sflag:s26] =	ssyncset.done $0x0  }
0xae: {  	s11 =	rddreg [dreg:$0x10];
	[sflag:s26] =	ssyncadd.s32 $0xFFFFC000  }
0xaf: {  	[hbm4b:s11+s4] =	stream.linear.scatter [tilespmem:s28], [sflag:$0xC], $0x4000, $0x38;
	[tilespmem:$0x19C00] =	vst v63  }
0xb0: {  	_ =	swait.ge [sflag:s5], $0x4000  }
0xb1: {  	[sflag:s5] =	ssyncset.done $0x0  }
0xb2: {  	[sflag:s5] =	ssyncadd.s32 $0xFFFFC000  }
0xb3: {  	_ =	swait.ge [sflag:s25], $0x4000  }
0xb4: {  	[sflag:s25] =	ssyncset.done $0x0  }
0xb5: {  	[sflag:s25] =	ssyncadd.s32 $0xFFFFC000  }
0xb6: {  	[hbm4b:s12+s4] =	stream.linear.scatter [tilespmem:s17], [sflag:$0x7], $0x4000, $0x38;
	[tilespmem:$0x19C00] =	vst v63  }
0xb7: {  	_ =	swait.ge [sflag:s6], $0x4000  }
0xb8: {  	[sflag:s6] =	ssyncset.done $0x0  }
0xb9: {  	[sflag:s6] =	ssyncadd.s32 $0xFFFFC000  }
0xba: {  	_ =	swait.ge [sflag:s29], $0x4000  }
0xbb: {  	[sflag:s29] =	ssyncset.done $0x0  }
0xbc: {  	s7 =	sadd.s32 $0x1, s7;
	[sflag:s29] =	ssyncadd.s32 $0xFFFFC000  }
0xbd: {  	[hbm4b:s13+s4] =	stream.linear.scatter [tilespmem:s18], [sflag:$0x8], $0x4000, $0x38;
	[tilespmem:$0x19C00] =	vst v63  }
0xbe: {  	p0 =	sne.s32 s7, s14;
	_ =	swait.ge [sflag:s30], $0x4000  }
.Ltmp1:
0xbf: {  	[sflag:s30] =	ssyncset.done $0x0;
	(pc) =	sbr.rel @p0 .LBB2_1-.Ltmp1, $4  }
0xc0: {  	[sflag:s30] =	ssyncadd.s32 $0xFFFFC000  }
0xc1: {  	_ =	swait.ge [sflag:s1], $0x4000  }
0xc2: {  	[sflag:s1] =	ssyncset.done $0x0  }
0xc3: {  	[sflag:s1] =	ssyncadd.s32 $0xFFFFC000  }
0xc4: {  	_ =	sfence.sel $0x180000  }
0xc5: {  	[bflag:$0x0] =	sbarrier.arrive $0xFFFF  }
0xc6: {  	_ =	strace $0x90000047  }
0xc7: {  	s0 =	stileid.u32;
	[bflag:$0x2] =	sbarrier.arrive $0xFFFF  }
0xc8: {  	p0 =	sne.s32 s0, $0x0;
	s0 =	rddreg [dreg:$0x3]  }
0xc9: {  	s0 =	sadd.s32 @!p0 $0x100000, s0  }
0xca: {  	[sflag:s0] =	ssyncadd.tile.s32 @!p0 $0x1;
	_ =	shalt  }
.Lfunc_end2:
_tile_overlayer_lowered:
.L_overlay_start_2:
0xcb: {  	(tag) =	ssettag $0x2  }
0xcc: {  	s0 =	rddreg [dreg:$0x0];
	s2 =	stileid.u32  }
0xcd: {  	s1 =	rddreg [dreg:$0x1];
	p0 =	sne.s32 s2, $0x0  }
0xce: {  	s3 =	rddreg [dreg:$0x2];
	[bflag:$0x3] =	sbarrier.arrive $0xFFFF;
	s2 =	simm.s32 @!p0 $0x1C0D  }
0xcf: {  	[timem:s3], [sflag:s2] =	dma.local @!p0 [hbm:s0], s1  }
0xd0: {  	s0 =	simm.s32 @!p0 $0xD  }
0xd1: {  	_ =	swait.ge @!p0 [sflag:s0], s1  }
0xd2: {  	s1 =	ssub.s32 @!p0 $0x0, s1;
	[sflag:s0] =	ssyncset.done @!p0 $0x0  }
0xd3: {  	[sflag:s0] =	ssyncadd.s32 @!p0 s1  }
0xd4: {  	[bflag:$0x3] =	sbarrier.arrive $0xFFFF  }
0xd5: {  	_ =	shalt  }

</sc_bundles>
